<compile_context>
chip_gen: v7x
topology: tpu7x:2x2x1
jax: 0.10.2.dev20260603
libtpu: 0.0.44.dev20260713+nightly
codegen_flags: <defaults>
</compile_context>

<pallas_src>
import functools

import jax
import jax.numpy as jnp
from jax import lax
from jax.experimental import pallas as pl
from jax.experimental.pallas import tpu as pltpu
from jax.experimental.pallas import tpu_sc as plsc

BATCH = 16384
D0 = 32
D1 = 32
D2 = 64
DTOT = D0 + D1 + D2
HIDDEN = 128
V = 100000

_NC = 2
_NS = 16
_NW = _NC * _NS
_RPW = DTOT // _NW
_OCHUNK = 4096
_L = 16


def _gather_body(segT, t0T, t1T, t2T, eT,
                 idx_v, row_v, out_r, semI, semR, semO):
    wid = lax.axis_index("s") * _NC + lax.axis_index("c")

    def do_table(tbl, ev_base, ti, base):
        dI = pltpu.async_copy(segT.at[pl.ds(ti, 1)], idx_v, semI)
        pltpu.async_copy(tbl.at[base], row_v, semR)
        dI.wait()

        def row_body(k, carry):
            c = base + k
            pltpu.make_async_copy(tbl.at[base], row_v, semR).wait()

            def chunk_body(h, carry2):
                so = (h % 2) * _OCHUNK

                @pl.when((k > 0) | (h >= 2))
                def _():
                    pltpu.make_async_copy(
                        out_r.at[pl.ds(0, _OCHUNK)],
                        eT.at[ev_base, pl.ds(0, _OCHUNK)], semO).wait()

                def gbody(j, carry):
                    off = j * (_L * 8)
                    ivs = [idx_v[0, pl.ds(h * _OCHUNK + off + t * _L, _L)]
                           for t in range(8)]
                    gs = [plsc.load_gather(row_v, [iv]) for iv in ivs]
                    for t in range(8):
                        out_r[pl.ds(so + off + t * _L, _L)] = gs[t]
                    return carry
                lax.fori_loop(0, _OCHUNK // (_L * 8), gbody, 0, unroll=1)
                pltpu.async_copy(
                    out_r.at[pl.ds(so, _OCHUNK)],
                    eT.at[ev_base + c, pl.ds(h * _OCHUNK, _OCHUNK)], semO)
                return carry2

            lax.fori_loop(0, BATCH // _OCHUNK, chunk_body, 0, unroll=1)

            @pl.when(k < _RPW - 1)
            def _():
                pltpu.async_copy(tbl.at[c + 1], row_v, semR)
            return carry

        lax.fori_loop(0, _RPW, row_body, 0, unroll=1)
        for _ in range(2):
            pltpu.make_async_copy(
                out_r.at[pl.ds(0, _OCHUNK)],
                eT.at[ev_base, pl.ds(0, _OCHUNK)], semO).wait()

    @pl.when(wid < 8)
    def _():
        do_table(t0T, 0, 0, wid * _RPW)

    @pl.when((wid >= 8) & (wid < 16))
    def _():
        do_table(t1T, D0, 1, (wid - 8) * _RPW)

    @pl.when(wid >= 16)
    def _():
        do_table(t2T, D0 + D1, 2, (wid - 16) * _RPW)


@functools.cache
def _make_gather():
    return pl.kernel(
        _gather_body,
        out_type=jax.ShapeDtypeStruct((DTOT, BATCH), jnp.float32),
        mesh=plsc.VectorSubcoreMesh(core_axis_name="c", subcore_axis_name="s"),
        scratch_types=[
            pltpu.VMEM((1, BATCH), jnp.int32),
            pltpu.VMEM((V,), jnp.float32),
            pltpu.VMEM((2 * _OCHUNK,), jnp.float32),
            pltpu.SemaphoreType.DMA,
            pltpu.SemaphoreType.DMA,
            pltpu.SemaphoreType.DMA,
        ],
        compiler_params=pltpu.CompilerParams(needs_layout_passes=False),
    )


_MM_COLS = 4096


def _mm_body(e_ref, w_ref, b_ref, o_ref):
    dn = (((0,), (0,)), ((), ()))
    acc = lax.dot_general(e_ref[...], w_ref[...], dn,
                          preferred_element_type=jnp.float32)
    o_ref[...] = acc + b_ref[...]


_matmul = pl.pallas_call(
    _mm_body,
    grid=(BATCH // _MM_COLS,),
    in_specs=[
        pl.BlockSpec((DTOT, _MM_COLS), lambda i: (0, i)),
        pl.BlockSpec((DTOT, HIDDEN), lambda i: (0, 0)),
        pl.BlockSpec((1, HIDDEN), lambda i: (0, 0)),
    ],
    out_specs=pl.BlockSpec((_MM_COLS, HIDDEN), lambda i: (i, 0)),
    out_shape=jax.ShapeDtypeStruct((BATCH, HIDDEN), jnp.float32),
)


@jax.jit
def kernel(segment_features, lane_table, type_table, length_table, W, b):
    eT = _make_gather()(
        segment_features.astype(jnp.int32).T,
        lane_table.T, type_table.T, length_table.T)
    return _matmul(eT, W.T, b.reshape(1, HIDDEN))

# --- scband reference (transcript-rebuilt; emitter-appended) ---
"""Pipeline reference for scband-feature-embedding-module-48198122996211 (READ-ONLY COPY).

The authoritative reference and input builder live on the scoring server;
editing this copy changes nothing except your own understanding.
"""

import jax, jax.numpy as jnp
import numpy as np

LANE_NUM = 100000
LANE_DIM = 32
TYPE_NUM = 100000
TYPE_DIM = 32
LEN_NUM = 100000
LEN_DIM = 64
HIDDEN = 128
BATCH = 16384


def setup_inputs(seed: int = 0) -> dict:
    key = jax.random.key(seed)
    k0, k1, k2, k3, k4, k5 = jax.random.split(key, 6)
    segment_features = jax.random.randint(k0, (BATCH, 3), 0, LANE_NUM, dtype=jnp.int64) if jax.config.jax_enable_x64 else jax.random.randint(k0, (BATCH, 3), 0, LANE_NUM, dtype=jnp.int32)
    lane_table = jax.random.normal(k1, (LANE_NUM, LANE_DIM), dtype=jnp.float32) * 0.02
    type_table = jax.random.normal(k2, (TYPE_NUM, TYPE_DIM), dtype=jnp.float32) * 0.02
    length_table = jax.random.normal(k3, (LEN_NUM, LEN_DIM), dtype=jnp.float32) * 0.02
    in_dim = LANE_DIM + TYPE_DIM + LEN_DIM
    W = jax.random.normal(k4, (HIDDEN, in_dim), dtype=jnp.float32) * (1.0 / np.sqrt(in_dim))
    b = jax.random.normal(k5, (HIDDEN,), dtype=jnp.float32) * 0.01
    return {
        "segment_features": segment_features,
        "lane_table": lane_table,
        "type_table": type_table,
        "length_table": length_table,
        "W": W,
        "b": b,
    }


def reference(segment_features, lane_table, type_table, length_table, W, b):
    lane_emb = jnp.take(lane_table, segment_features[:, 0], axis=0)
    type_emb = jnp.take(type_table, segment_features[:, 1], axis=0)
    length_emb = jnp.take(length_table, segment_features[:, 2], axis=0)
    segment_emb = jnp.concatenate([lane_emb, type_emb, length_emb], axis=1)
    init_segment_features = segment_emb @ W.T + b
    return init_segment_features

if __name__ == "__main__":
    import jax
    _d = setup_inputs()
    print(jax.jit(kernel)(*tuple(_d.values())))

</pallas_src>

<mosaic_0001>
#map = affine_map<(d0, d1) -> (0, 0)>
module attributes {stable_mosaic.version = 14 : i64} {
  func.func @_gather_body(%arg0: i32, %arg1: i32, %arg2: memref<3x16384xi32, #tpu.memory_space<hbm>>, %arg3: memref<32x100000xf32, #tpu.memory_space<hbm>>, %arg4: memref<32x100000xf32, #tpu.memory_space<hbm>>, %arg5: memref<64x100000xf32, #tpu.memory_space<hbm>>, %arg6: memref<128x16384xf32, #tpu.memory_space<hbm>>, %arg7: memref<1x16384xi32, #tpu.memory_space<vmem>>, %arg8: memref<100000xf32, #tpu.memory_space<vmem>>, %arg9: memref<8192xf32, #tpu.memory_space<vmem>>, %arg10: memref<!tpu.dma_semaphore, #tpu.memory_space<semaphore_mem>>, %arg11: memref<!tpu.dma_semaphore, #tpu.memory_space<semaphore_mem>>, %arg12: memref<!tpu.dma_semaphore, #tpu.memory_space<semaphore_mem>>) attributes {dimension_semantics = [#tpu.dimension_semantics<core_parallel>, #tpu.dimension_semantics<subcore_parallel>], iteration_bounds = array<i64: 2, 16>, scalar_prefetch = 0 : i64, scratch_operands = 6 : i64, tpu.core_type = #tpu.core_type<sc_vector_subcore>, window_params = [{transform_indices = #map}, {transform_indices = #map}, {transform_indices = #map}, {transform_indices = #map}, {transform_indices = #map}]} {
    %mul3A = arith.constant 2 : i32
    %mul3A_0 = arith.muli %arg1, %mul3A : i32
    %add3A = arith.addi %mul3A_0, %arg0 : i32
    %lt3A = arith.constant 8 : i32
    %lt3A_1 = arith.cmpi slt, %add3A, %lt3A : i32
    %convert_element_type3A = arith.extui %lt3A_1 : i1 to i32
    %cond3A = arith.constant 0 : i32
    %cond3A_2 = arith.cmpi ne, %convert_element_type3A, %cond3A : i32
    scf.if %cond3A_2 {
      %mul3A_14 = arith.constant 4 : i32
      %mul3A_15 = arith.muli %add3A, %mul3A_14 : i32
      %dma_start3A = arith.constant 0 : i32
      %dma_start3A_16 = arith.constant 0 : i32
      %dma_start3A_17 = tpu.memref_slice %arg2[%dma_start3A, %dma_start3A_16] : memref<3x16384xi32, #tpu.memory_space<hbm>> -> memref<1x16384xi32, #tpu.memory_space<hbm>>
      %dma_start3A_18 = arith.constant 0 : i32
      %dma_start3A_19 = arith.constant 0 : i32
      %dma_start3A_20 = tpu.memref_slice %arg2[%dma_start3A_18, %dma_start3A_19] : memref<3x16384xi32, #tpu.memory_space<hbm>> -> memref<1x16384xi32, #tpu.memory_space<hbm>>
      tpu.enqueue_dma source(%dma_start3A_20 : memref<1x16384xi32, #tpu.memory_space<hbm>>) target(%arg7 : memref<1x16384xi32, #tpu.memory_space<vmem>>) target_semaphore(%arg10 : memref<!tpu.dma_semaphore, #tpu.memory_space<semaphore_mem>>)
      %dma_start3A_21 = arith.constant 0 : i32
      %dma_start3A_22 = tpu.memref_slice %arg3[%mul3A_15, %dma_start3A_21] : memref<32x100000xf32, #tpu.memory_space<hbm>> -> memref<1x100000xf32, #tpu.memory_space<hbm>>
      %dma_start3A_23 = tpu.memref_squeeze %dma_start3A_22 : memref<1x100000xf32, #tpu.memory_space<hbm>> -> memref<100000xf32, #tpu.memory_space<hbm>>
      %dma_start3A_24 = arith.constant 0 : i32
      %dma_start3A_25 = tpu.memref_slice %arg3[%mul3A_15, %dma_start3A_24] : memref<32x100000xf32, #tpu.memory_space<hbm>> -> memref<1x100000xf32, #tpu.memory_space<hbm>>
      %dma_start3A_26 = tpu.memref_squeeze %dma_start3A_25 : memref<1x100000xf32, #tpu.memory_space<hbm>> -> memref<100000xf32, #tpu.memory_space<hbm>>
      tpu.enqueue_dma source(%dma_start3A_26 : memref<100000xf32, #tpu.memory_space<hbm>>) target(%arg8 : memref<100000xf32, #tpu.memory_space<vmem>>) target_semaphore(%arg11 : memref<!tpu.dma_semaphore, #tpu.memory_space<semaphore_mem>>)
      %dma_wait3A = arith.constant 0 : i32
      %dma_wait3A_27 = arith.constant 0 : i32
      %dma_wait3A_28 = tpu.memref_slice %arg2[%dma_wait3A, %dma_wait3A_27] : memref<3x16384xi32, #tpu.memory_space<hbm>> -> memref<1x16384xi32, #tpu.memory_space<hbm>>
      %dma_wait3A_29 = arith.constant 0 : i32
      %dma_wait3A_30 = arith.constant 0 : i32
      %dma_wait3A_31 = tpu.memref_slice %arg2[%dma_wait3A_29, %dma_wait3A_30] : memref<3x16384xi32, #tpu.memory_space<hbm>> -> memref<1x16384xi32, #tpu.memory_space<hbm>>
      tpu.wait_dma2 semaphore(%arg10 : memref<!tpu.dma_semaphore, #tpu.memory_space<semaphore_mem>>) src(%dma_wait3A_31 : memref<1x16384xi32, #tpu.memory_space<hbm>>) dst(%arg7 : memref<1x16384xi32, #tpu.memory_space<vmem>>)
      %scan3A = arith.constant 0 : i32
      %scan3A_32 = arith.constant 0 : i32
      %scan3A_33 = arith.constant 4 : i32
      %scan3A_34 = arith.addi %scan3A_32, %scan3A_33 : i32
      %scan3A_35 = arith.constant 1 : i32
      scf.for %scan3A_59 = %scan3A_32 to %scan3A_34 step %scan3A_35  : i32 {
        %add3A_60 = arith.addi %mul3A_15, %scan3A_59 : i32
        %dma_wait3A_61 = arith.constant 0 : i32
        %dma_wait3A_62 = tpu.memref_slice %arg3[%mul3A_15, %dma_wait3A_61] : memref<32x100000xf32, #tpu.memory_space<hbm>> -> memref<1x100000xf32, #tpu.memory_space<hbm>>
        %dma_wait3A_63 = tpu.memref_squeeze %dma_wait3A_62 : memref<1x100000xf32, #tpu.memory_space<hbm>> -> memref<100000xf32, #tpu.memory_space<hbm>>
        %dma_wait3A_64 = arith.constant 0 : i32
        %dma_wait3A_65 = tpu.memref_slice %arg3[%mul3A_15, %dma_wait3A_64] : memref<32x100000xf32, #tpu.memory_space<hbm>> -> memref<1x100000xf32, #tpu.memory_space<hbm>>
        %dma_wait3A_66 = tpu.memref_squeeze %dma_wait3A_65 : memref<1x100000xf32, #tpu.memory_space<hbm>> -> memref<100000xf32, #tpu.memory_space<hbm>>
        tpu.wait_dma2 semaphore(%arg11 : memref<!tpu.dma_semaphore, #tpu.memory_space<semaphore_mem>>) src(%dma_wait3A_66 : memref<100000xf32, #tpu.memory_space<hbm>>) dst(%arg8 : memref<100000xf32, #tpu.memory_space<vmem>>)
        %scan3A_67 = arith.constant 0 : i32
        %scan3A_68 = arith.constant 0 : i32
        %scan3A_69 = arith.constant 4 : i32
        %scan3A_70 = arith.addi %scan3A_68, %scan3A_69 : i32
        %scan3A_71 = arith.constant 1 : i32
        scf.for %scan3A_78 = %scan3A_68 to %scan3A_70 step %scan3A_71  : i32 {
          %jit3A = arith.constant 2 : i32
          %eq3A = arith.constant 0 : i32
          %eq3A_79 = arith.cmpi eq, %jit3A, %eq3A : i32
          %jit3A_80 = arith.constant 1 : i32
          %select_n3A = arith.select %eq3A_79, %jit3A_80, %jit3A : i32
          %rem3A = arith.remsi %scan3A_78, %select_n3A : i32
          %ne3A = arith.constant 0 : i32
          %ne3A_81 = arith.cmpi ne, %rem3A, %ne3A : i32
          %lt3A_82 = arith.constant 0 : i32
          %lt3A_83 = arith.cmpi slt, %rem3A, %lt3A_82 : i32
          %lt3A_84 = arith.constant 0 : i32
          %lt3A_85 = arith.cmpi slt, %select_n3A, %lt3A_84 : i32
          %ne3A_86 = arith.xori %lt3A_83, %lt3A_85 : i1
          %and3A_87 = arith.andi %ne3A_86, %ne3A_81 : i1
          %add3A_88 = arith.addi %rem3A, %select_n3A : i32
          %select_n3A_89 = arith.select %and3A_87, %add3A_88, %rem3A : i32
          %mul3A_90 = arith.constant 4096 : i32
          %mul3A_91 = arith.muli %select_n3A_89, %mul3A_90 : i32
          %gt3A = arith.constant 0 : i32
          %gt3A_92 = arith.cmpi sgt, %scan3A_59, %gt3A : i32
          %ge3A_93 = arith.constant 2 : i32
          %ge3A_94 = arith.cmpi sge, %scan3A_78, %ge3A_93 : i32
          %or3A = arith.ori %gt3A_92, %ge3A_94 : i1
          %convert_element_type3A_95 = arith.extui %or3A : i1 to i32
          %cond3A_96 = arith.constant 0 : i32
          %cond3A_97 = arith.cmpi ne, %convert_element_type3A_95, %cond3A_96 : i32
          scf.if %cond3A_97 {
            %dma_wait3A_114 = arith.constant 0 : i32
            %dma_wait3A_115 = arith.constant 0 : i32
            %dma_wait3A_116 = tpu.memref_slice %arg9[%dma_wait3A_115] : memref<8192xf32, #tpu.memory_space<vmem>> -> memref<4096xf32, #tpu.memory_space<vmem>>
            %dma_wait3A_117 = arith.constant 0 : i32
            %dma_wait3A_118 = tpu.memref_slice %arg6[%dma_wait3A_114, %dma_wait3A_117] : memref<128x16384xf32, #tpu.memory_space<hbm>> -> memref<1x4096xf32, #tpu.memory_space<hbm>>
            %dma_wait3A_119 = tpu.memref_squeeze %dma_wait3A_118 : memref<1x4096xf32, #tpu.memory_space<hbm>> -> memref<4096xf32, #tpu.memory_space<hbm>>
            %dma_wait3A_120 = arith.constant 0 : i32
            %dma_wait3A_121 = tpu.memref_slice %arg6[%dma_wait3A_114, %dma_wait3A_120] : memref<128x16384xf32, #tpu.memory_space<hbm>> -> memref<1x4096xf32, #tpu.memory_space<hbm>>
            %dma_wait3A_122 = tpu.memref_squeeze %dma_wait3A_121 : memref<1x4096xf32, #tpu.memory_space<hbm>> -> memref<4096xf32, #tpu.memory_space<hbm>>
            %dma_wait3A_123 = arith.constant 0 : i32
            %dma_wait3A_124 = tpu.memref_slice %arg9[%dma_wait3A_123] : memref<8192xf32, #tpu.memory_space<vmem>> -> memref<4096xf32, #tpu.memory_space<vmem>>
            tpu.wait_dma2 semaphore(%arg12 : memref<!tpu.dma_semaphore, #tpu.memory_space<semaphore_mem>>) src(%dma_wait3A_124 : memref<4096xf32, #tpu.memory_space<vmem>>) dst(%dma_wait3A_122 : memref<4096xf32, #tpu.memory_space<hbm>>)
          } else {
          }
          %scan3A_98 = arith.constant 0 : i32
          %scan3A_99 = arith.constant 0 : i32
          %scan3A_100 = arith.constant 32 : i32
          %scan3A_101 = arith.addi %scan3A_99, %scan3A_100 : i32
          %scan3A_102 = arith.constant 1 : i32
          scf.for %scan3A_114 = %scan3A_99 to %scan3A_101 step %scan3A_102  : i32 {
            %mul3A_115 = arith.constant 128 : i32
            %mul3A_116 = arith.muli %scan3A_114, %mul3A_115 : i32
            %mul3A_117 = arith.constant 4096 : i32
            %mul3A_118 = arith.muli %scan3A_78, %mul3A_117 : i32
            %add3A_119 = arith.addi %mul3A_118, %mul3A_116 : i32
            %add3A_120 = arith.constant 0 : i32
            %add3A_121 = arith.addi %add3A_119, %add3A_120 : i32
            %get3A = arith.constant 0 : i32
            %get3A_122 = arith.index_cast %get3A : i32 to index
            %get3A_123 = arith.index_cast %add3A_121 : i32 to index
            %get3A_124 = tpu.vector_load %arg7[%get3A_122, %get3A_123] {strides = array<i32>} : memref<1x16384xi32, #tpu.memory_space<vmem>>, vector<16xi32>,
            %mul3A_125 = arith.constant 4096 : i32
            %mul3A_126 = arith.muli %scan3A_78, %mul3A_125 : i32
            %add3A_127 = arith.addi %mul3A_126, %mul3A_116 : i32
            %add3A_128 = arith.constant 16 : i32
            %add3A_129 = arith.addi %add3A_127, %add3A_128 : i32
            %get3A_130 = arith.constant 0 : i32
            %get3A_131 = arith.index_cast %get3A_130 : i32 to index
            %get3A_132 = arith.index_cast %add3A_129 : i32 to index
            %get3A_133 = tpu.vector_load %arg7[%get3A_131, %get3A_132] {strides = array<i32>} : memref<1x16384xi32, #tpu.memory_space<vmem>>, vector<16xi32>,
            %mul3A_134 = arith.constant 4096 : i32
            %mul3A_135 = arith.muli %scan3A_78, %mul3A_134 : i32
            %add3A_136 = arith.addi %mul3A_135, %mul3A_116 : i32
            %add3A_137 = arith.constant 32 : i32
            %add3A_138 = arith.addi %add3A_136, %add3A_137 : i32
            %get3A_139 = arith.constant 0 : i32
            %get3A_140 = arith.index_cast %get3A_139 : i32 to index
            %get3A_141 = arith.index_cast %add3A_138 : i32 to index
            %get3A_142 = tpu.vector_load %arg7[%get3A_140, %get3A_141] {strides = array<i32>} : memref<1x16384xi32, #tpu.memory_space<vmem>>, vector<16xi32>,
            %mul3A_143 = arith.constant 4096 : i32
            %mul3A_144 = arith.muli %scan3A_78, %mul3A_143 : i32
            %add3A_145 = arith.addi %mul3A_144, %mul3A_116 : i32
            %add3A_146 = arith.constant 48 : i32
            %add3A_147 = arith.addi %add3A_145, %add3A_146 : i32
            %get3A_148 = arith.constant 0 : i32
            %get3A_149 = arith.index_cast %get3A_148 : i32 to index
            %get3A_150 = arith.index_cast %add3A_147 : i32 to index
            %get3A_151 = tpu.vector_load %arg7[%get3A_149, %get3A_150] {strides = array<i32>} : memref<1x16384xi32, #tpu.memory_space<vmem>>, vector<16xi32>,
            %mul3A_152 = arith.constant 4096 : i32
            %mul3A_153 = arith.muli %scan3A_78, %mul3A_152 : i32
            %add3A_154 = arith.addi %mul3A_153, %mul3A_116 : i32
            %add3A_155 = arith.constant 64 : i32
            %add3A_156 = arith.addi %add3A_154, %add3A_155 : i32
            %get3A_157 = arith.constant 0 : i32
            %get3A_158 = arith.index_cast %get3A_157 : i32 to index
            %get3A_159 = arith.index_cast %add3A_156 : i32 to index
            %get3A_160 = tpu.vector_load %arg7[%get3A_158, %get3A_159] {strides = array<i32>} : memref<1x16384xi32, #tpu.memory_space<vmem>>, vector<16xi32>,
            %mul3A_161 = arith.constant 4096 : i32
            %mul3A_162 = arith.muli %scan3A_78, %mul3A_161 : i32
            %add3A_163 = arith.addi %mul3A_162, %mul3A_116 : i32
            %add3A_164 = arith.constant 80 : i32
            %add3A_165 = arith.addi %add3A_163, %add3A_164 : i32
            %get3A_166 = arith.constant 0 : i32
            %get3A_167 = arith.index_cast %get3A_166 : i32 to index
            %get3A_168 = arith.index_cast %add3A_165 : i32 to index
            %get3A_169 = tpu.vector_load %arg7[%get3A_167, %get3A_168] {strides = array<i32>} : memref<1x16384xi32, #tpu.memory_space<vmem>>, vector<16xi32>,
            %mul3A_170 = arith.constant 4096 : i32
            %mul3A_171 = arith.muli %scan3A_78, %mul3A_170 : i32
            %add3A_172 = arith.addi %mul3A_171, %mul3A_116 : i32
            %add3A_173 = arith.constant 96 : i32
            %add3A_174 = arith.addi %add3A_172, %add3A_173 : i32
            %get3A_175 = arith.constant 0 : i32
            %get3A_176 = arith.index_cast %get3A_175 : i32 to index
            %get3A_177 = arith.index_cast %add3A_174 : i32 to index
            %get3A_178 = tpu.vector_load %arg7[%get3A_176, %get3A_177] {strides = array<i32>} : memref<1x16384xi32, #tpu.memory_space<vmem>>, vector<16xi32>,
            %mul3A_179 = arith.constant 4096 : i32
            %mul3A_180 = arith.muli %scan3A_78, %mul3A_179 : i32
            %add3A_181 = arith.addi %mul3A_180, %mul3A_116 : i32
            %add3A_182 = arith.constant 112 : i32
            %add3A_183 = arith.addi %add3A_181, %add3A_182 : i32
            %get3A_184 = arith.constant 0 : i32
            %get3A_185 = arith.index_cast %get3A_184 : i32 to index
            %get3A_186 = arith.index_cast %add3A_183 : i32 to index
            %get3A_187 = tpu.vector_load %arg7[%get3A_185, %get3A_186] {strides = array<i32>} : memref<1x16384xi32, #tpu.memory_space<vmem>>, vector<16xi32>,
            %gather3A = tpu.vector_load_idx %arg8[%get3A_124] : memref<100000xf32, #tpu.memory_space<vmem>>[vector<16xi32>], vector<16xf32>,
            %gather3A_188 = tpu.vector_load_idx %arg8[%get3A_133] : memref<100000xf32, #tpu.memory_space<vmem>>[vector<16xi32>], vector<16xf32>,
            %gather3A_189 = tpu.vector_load_idx %arg8[%get3A_142] : memref<100000xf32, #tpu.memory_space<vmem>>[vector<16xi32>], vector<16xf32>,
            %gather3A_190 = tpu.vector_load_idx %arg8[%get3A_151] : memref<100000xf32, #tpu.memory_space<vmem>>[vector<16xi32>], vector<16xf32>,
            %gather3A_191 = tpu.vector_load_idx %arg8[%get3A_160] : memref<100000xf32, #tpu.memory_space<vmem>>[vector<16xi32>], vector<16xf32>,
            %gather3A_192 = tpu.vector_load_idx %arg8[%get3A_169] : memref<100000xf32, #tpu.memory_space<vmem>>[vector<16xi32>], vector<16xf32>,
            %gather3A_193 = tpu.vector_load_idx %arg8[%get3A_178] : memref<100000xf32, #tpu.memory_space<vmem>>[vector<16xi32>], vector<16xf32>,
            %gather3A_194 = tpu.vector_load_idx %arg8[%get3A_187] : memref<100000xf32, #tpu.memory_space<vmem>>[vector<16xi32>], vector<16xf32>,
            %add3A_195 = arith.addi %mul3A_91, %mul3A_116 : i32
            %add3A_196 = arith.constant 0 : i32
            %add3A_197 = arith.addi %add3A_195, %add3A_196 : i32
            %swap3A = arith.index_cast %add3A_197 : i32 to index
            %swap3A_198 = tpu.vector_load %arg9[%swap3A] {strides = array<i32>} : memref<8192xf32, #tpu.memory_space<vmem>>, vector<16xf32>,
            tpu.vector_store %arg9[%swap3A], %gather3A {strides = array<i32>} : memref<8192xf32, #tpu.memory_space<vmem>>, vector<16xf32>,
            %add3A_199 = arith.addi %mul3A_91, %mul3A_116 : i32
            %add3A_200 = arith.constant 16 : i32
            %add3A_201 = arith.addi %add3A_199, %add3A_200 : i32
            %swap3A_202 = arith.index_cast %add3A_201 : i32 to index
            %swap3A_203 = tpu.vector_load %arg9[%swap3A_202] {strides = array<i32>} : memref<8192xf32, #tpu.memory_space<vmem>>, vector<16xf32>,
            tpu.vector_store %arg9[%swap3A_202], %gather3A_188 {strides = array<i32>} : memref<8192xf32, #tpu.memory_space<vmem>>, vector<16xf32>,
            %add3A_204 = arith.addi %mul3A_91, %mul3A_116 : i32
            %add3A_205 = arith.constant 32 : i32
            %add3A_206 = arith.addi %add3A_204, %add3A_205 : i32
            %swap3A_207 = arith.index_cast %add3A_206 : i32 to index
            %swap3A_208 = tpu.vector_load %arg9[%swap3A_207] {strides = array<i32>} : memref<8192xf32, #tpu.memory_space<vmem>>, vector<16xf32>,
            tpu.vector_store %arg9[%swap3A_207], %gather3A_189 {strides = array<i32>} : memref<8192xf32, #tpu.memory_space<vmem>>, vector<16xf32>,
            %add3A_209 = arith.addi %mul3A_91, %mul3A_116 : i32
            %add3A_210 = arith.constant 48 : i32
            %add3A_211 = arith.addi %add3A_209, %add3A_210 : i32
            %swap3A_212 = arith.index_cast %add3A_211 : i32 to index
            %swap3A_213 = tpu.vector_load %arg9[%swap3A_212] {strides = array<i32>} : memref<8192xf32, #tpu.memory_space<vmem>>, vector<16xf32>,
            tpu.vector_store %arg9[%swap3A_212], %gather3A_190 {strides = array<i32>} : memref<8192xf32, #tpu.memory_space<vmem>>, vector<16xf32>,
            %add3A_214 = arith.addi %mul3A_91, %mul3A_116 : i32
            %add3A_215 = arith.constant 64 : i32
            %add3A_216 = arith.addi %add3A_214, %add3A_215 : i32
            %swap3A_217 = arith.index_cast %add3A_216 : i32 to index
            %swap3A_218 = tpu.vector_load %arg9[%swap3A_217] {strides = array<i32>} : memref<8192xf32, #tpu.memory_space<vmem>>, vector<16xf32>,
            tpu.vector_store %arg9[%swap3A_217], %gather3A_191 {strides = array<i32>} : memref<8192xf32, #tpu.memory_space<vmem>>, vector<16xf32>,
            %add3A_219 = arith.addi %mul3A_91, %mul3A_116 : i32
            %add3A_220 = arith.constant 80 : i32
            %add3A_221 = arith.addi %add3A_219, %add3A_220 : i32
            %swap3A_222 = arith.index_cast %add3A_221 : i32 to index
            %swap3A_223 = tpu.vector_load %arg9[%swap3A_222] {strides = array<i32>} : memref<8192xf32, #tpu.memory_space<vmem>>, vector<16xf32>,
            tpu.vector_store %arg9[%swap3A_222], %gather3A_192 {strides = array<i32>} : memref<8192xf32, #tpu.memory_space<vmem>>, vector<16xf32>,
            %add3A_224 = arith.addi %mul3A_91, %mul3A_116 : i32
            %add3A_225 = arith.constant 96 : i32
            %add3A_226 = arith.addi %add3A_224, %add3A_225 : i32
            %swap3A_227 = arith.index_cast %add3A_226 : i32 to index
            %swap3A_228 = tpu.vector_load %arg9[%swap3A_227] {strides = array<i32>} : memref<8192xf32, #tpu.memory_space<vmem>>, vector<16xf32>,
            tpu.vector_store %arg9[%swap3A_227], %gather3A_193 {strides = array<i32>} : memref<8192xf32, #tpu.memory_space<vmem>>, vector<16xf32>,
            %add3A_229 = arith.addi %mul3A_91, %mul3A_116 : i32
            %add3A_230 = arith.constant 112 : i32
            %add3A_231 = arith.addi %add3A_229, %add3A_230 : i32
            %swap3A_232 = arith.index_cast %add3A_231 : i32 to index
            %swap3A_233 = tpu.vector_load %arg9[%swap3A_232] {strides = array<i32>} : memref<8192xf32, #tpu.memory_space<vmem>>, vector<16xf32>,
            tpu.vector_store %arg9[%swap3A_232], %gather3A_194 {strides = array<i32>} : memref<8192xf32, #tpu.memory_space<vmem>>, vector<16xf32>,
          }
          %scan3A_103 = arith.constant 32 : i32
          %add3A_104 = arith.constant 0 : i32
          %add3A_105 = arith.addi %add3A_104, %add3A_60 : i32
          %mul3A_106 = arith.constant 4096 : i32
          %mul3A_107 = arith.muli %scan3A_78, %mul3A_106 : i32
          %dma_start3A_108 = tpu.memref_slice %arg9[%mul3A_91] : memref<8192xf32, #tpu.memory_space<vmem>> -> memref<4096xf32, #tpu.memory_space<vmem>>
          %dma_start3A_109 = tpu.memref_slice %arg6[%add3A_105, %mul3A_107] : memref<128x16384xf32, #tpu.memory_space<hbm>> -> memref<1x4096xf32, #tpu.memory_space<hbm>>
          %dma_start3A_110 = tpu.memref_squeeze %dma_start3A_109 : memref<1x4096xf32, #tpu.memory_space<hbm>> -> memref<4096xf32, #tpu.memory_space<hbm>>
          %dma_start3A_111 = tpu.memref_slice %arg6[%add3A_105, %mul3A_107] : memref<128x16384xf32, #tpu.memory_space<hbm>> -> memref<1x4096xf32, #tpu.memory_space<hbm>>
          %dma_start3A_112 = tpu.memref_squeeze %dma_start3A_111 : memref<1x4096xf32, #tpu.memory_space<hbm>> -> memref<4096xf32, #tpu.memory_space<hbm>>
          %dma_start3A_113 = tpu.memref_slice %arg9[%mul3A_91] : memref<8192xf32, #tpu.memory_space<vmem>> -> memref<4096xf32, #tpu.memory_space<vmem>>
          tpu.enqueue_dma source(%dma_start3A_113 : memref<4096xf32, #tpu.memory_space<vmem>>) target(%dma_start3A_112 : memref<4096xf32, #tpu.memory_space<hbm>>) target_semaphore(%arg12 : memref<!tpu.dma_semaphore, #tpu.memory_space<semaphore_mem>>)
        }
        %scan3A_72 = arith.constant 4 : i32
        %lt3A_73 = arith.constant 3 : i32
        %lt3A_74 = arith.cmpi slt, %scan3A_59, %lt3A_73 : i32
        %convert_element_type3A_75 = arith.extui %lt3A_74 : i1 to i32
        %cond3A_76 = arith.constant 0 : i32
        %cond3A_77 = arith.cmpi ne, %convert_element_type3A_75, %cond3A_76 : i32
        scf.if %cond3A_77 {
          %add3A_78 = arith.constant 1 : i32
          %add3A_79 = arith.addi %add3A_60, %add3A_78 : i32
          %dma_start3A_80 = arith.constant 0 : i32
          %dma_start3A_81 = tpu.memref_slice %arg3[%add3A_79, %dma_start3A_80] : memref<32x100000xf32, #tpu.memory_space<hbm>> -> memref<1x100000xf32, #tpu.memory_space<hbm>>
          %dma_start3A_82 = tpu.memref_squeeze %dma_start3A_81 : memref<1x100000xf32, #tpu.memory_space<hbm>> -> memref<100000xf32, #tpu.memory_space<hbm>>
          %dma_start3A_83 = arith.constant 0 : i32
          %dma_start3A_84 = tpu.memref_slice %arg3[%add3A_79, %dma_start3A_83] : memref<32x100000xf32, #tpu.memory_space<hbm>> -> memref<1x100000xf32, #tpu.memory_space<hbm>>
          %dma_start3A_85 = tpu.memref_squeeze %dma_start3A_84 : memref<1x100000xf32, #tpu.memory_space<hbm>> -> memref<100000xf32, #tpu.memory_space<hbm>>
          tpu.enqueue_dma source(%dma_start3A_85 : memref<100000xf32, #tpu.memory_space<hbm>>) target(%arg8 : memref<100000xf32, #tpu.memory_space<vmem>>) target_semaphore(%arg11 : memref<!tpu.dma_semaphore, #tpu.memory_space<semaphore_mem>>)
        } else {
        }
      }
      %scan3A_36 = arith.constant 4 : i32
      %dma_wait3A_37 = arith.constant 0 : i32
      %dma_wait3A_38 = arith.constant 0 : i32
      %dma_wait3A_39 = tpu.memref_slice %arg9[%dma_wait3A_38] : memref<8192xf32, #tpu.memory_space<vmem>> -> memref<4096xf32, #tpu.memory_space<vmem>>
      %dma_wait3A_40 = arith.constant 0 : i32
      %dma_wait3A_41 = tpu.memref_slice %arg6[%dma_wait3A_37, %dma_wait3A_40] : memref<128x16384xf32, #tpu.memory_space<hbm>> -> memref<1x4096xf32, #tpu.memory_space<hbm>>
      %dma_wait3A_42 = tpu.memref_squeeze %dma_wait3A_41 : memref<1x4096xf32, #tpu.memory_space<hbm>> -> memref<4096xf32, #tpu.memory_space<hbm>>
      %dma_wait3A_43 = arith.constant 0 : i32
      %dma_wait3A_44 = tpu.memref_slice %arg6[%dma_wait3A_37, %dma_wait3A_43] : memref<128x16384xf32, #tpu.memory_space<hbm>> -> memref<1x4096xf32, #tpu.memory_space<hbm>>
      %dma_wait3A_45 = tpu.memref_squeeze %dma_wait3A_44 : memref<1x4096xf32, #tpu.memory_space<hbm>> -> memref<4096xf32, #tpu.memory_space<hbm>>
      %dma_wait3A_46 = arith.constant 0 : i32
      %dma_wait3A_47 = tpu.memref_slice %arg9[%dma_wait3A_46] : memref<8192xf32, #tpu.memory_space<vmem>> -> memref<4096xf32, #tpu.memory_space<vmem>>
      tpu.wait_dma2 semaphore(%arg12 : memref<!tpu.dma_semaphore, #tpu.memory_space<semaphore_mem>>) src(%dma_wait3A_47 : memref<4096xf32, #tpu.memory_space<vmem>>) dst(%dma_wait3A_45 : memref<4096xf32, #tpu.memory_space<hbm>>)
      %dma_wait3A_48 = arith.constant 0 : i32
      %dma_wait3A_49 = arith.constant 0 : i32
      %dma_wait3A_50 = tpu.memref_slice %arg9[%dma_wait3A_49] : memref<8192xf32, #tpu.memory_space<vmem>> -> memref<4096xf32, #tpu.memory_space<vmem>>
      %dma_wait3A_51 = arith.constant 0 : i32
      %dma_wait3A_52 = tpu.memref_slice %arg6[%dma_wait3A_48, %dma_wait3A_51] : memref<128x16384xf32, #tpu.memory_space<hbm>> -> memref<1x4096xf32, #tpu.memory_space<hbm>>
      %dma_wait3A_53 = tpu.memref_squeeze %dma_wait3A_52 : memref<1x4096xf32, #tpu.memory_space<hbm>> -> memref<4096xf32, #tpu.memory_space<hbm>>
      %dma_wait3A_54 = arith.constant 0 : i32
      %dma_wait3A_55 = tpu.memref_slice %arg6[%dma_wait3A_48, %dma_wait3A_54] : memref<128x16384xf32, #tpu.memory_space<hbm>> -> memref<1x4096xf32, #tpu.memory_space<hbm>>
      %dma_wait3A_56 = tpu.memref_squeeze %dma_wait3A_55 : memref<1x4096xf32, #tpu.memory_space<hbm>> -> memref<4096xf32, #tpu.memory_space<hbm>>
      %dma_wait3A_57 = arith.constant 0 : i32
      %dma_wait3A_58 = tpu.memref_slice %arg9[%dma_wait3A_57] : memref<8192xf32, #tpu.memory_space<vmem>> -> memref<4096xf32, #tpu.memory_space<vmem>>
      tpu.wait_dma2 semaphore(%arg12 : memref<!tpu.dma_semaphore, #tpu.memory_space<semaphore_mem>>) src(%dma_wait3A_58 : memref<4096xf32, #tpu.memory_space<vmem>>) dst(%dma_wait3A_56 : memref<4096xf32, #tpu.memory_space<hbm>>)
    } else {
    }
    %ge3A = arith.constant 8 : i32
    %ge3A_3 = arith.cmpi sge, %add3A, %ge3A : i32
    %lt3A_4 = arith.constant 16 : i32
    %lt3A_5 = arith.cmpi slt, %add3A, %lt3A_4 : i32
    %and3A = arith.andi %ge3A_3, %lt3A_5 : i1
    %convert_element_type3A_6 = arith.extui %and3A : i1 to i32
    %cond3A_7 = arith.constant 0 : i32
    %cond3A_8 = arith.cmpi ne, %convert_element_type3A_6, %cond3A_7 : i32
    scf.if %cond3A_8 {
      %sub3A = arith.constant 8 : i32
      %sub3A_14 = arith.subi %add3A, %sub3A : i32
      %mul3A_15 = arith.constant 4 : i32
      %mul3A_16 = arith.muli %sub3A_14, %mul3A_15 : i32
      %dma_start3A = arith.constant 1 : i32
      %dma_start3A_17 = arith.constant 0 : i32
      %dma_start3A_18 = tpu.memref_slice %arg2[%dma_start3A, %dma_start3A_17] : memref<3x16384xi32, #tpu.memory_space<hbm>> -> memref<1x16384xi32, #tpu.memory_space<hbm>>
      %dma_start3A_19 = arith.constant 1 : i32
      %dma_start3A_20 = arith.constant 0 : i32
      %dma_start3A_21 = tpu.memref_slice %arg2[%dma_start3A_19, %dma_start3A_20] : memref<3x16384xi32, #tpu.memory_space<hbm>> -> memref<1x16384xi32, #tpu.memory_space<hbm>>
      tpu.enqueue_dma source(%dma_start3A_21 : memref<1x16384xi32, #tpu.memory_space<hbm>>) target(%arg7 : memref<1x16384xi32, #tpu.memory_space<vmem>>) target_semaphore(%arg10 : memref<!tpu.dma_semaphore, #tpu.memory_space<semaphore_mem>>)
      %dma_start3A_22 = arith.constant 0 : i32
      %dma_start3A_23 = tpu.memref_slice %arg4[%mul3A_16, %dma_start3A_22] : memref<32x100000xf32, #tpu.memory_space<hbm>> -> memref<1x100000xf32, #tpu.memory_space<hbm>>
      %dma_start3A_24 = tpu.memref_squeeze %dma_start3A_23 : memref<1x100000xf32, #tpu.memory_space<hbm>> -> memref<100000xf32, #tpu.memory_space<hbm>>
      %dma_start3A_25 = arith.constant 0 : i32
      %dma_start3A_26 = tpu.memref_slice %arg4[%mul3A_16, %dma_start3A_25] : memref<32x100000xf32, #tpu.memory_space<hbm>> -> memref<1x100000xf32, #tpu.memory_space<hbm>>
      %dma_start3A_27 = tpu.memref_squeeze %dma_start3A_26 : memref<1x100000xf32, #tpu.memory_space<hbm>> -> memref<100000xf32, #tpu.memory_space<hbm>>
      tpu.enqueue_dma source(%dma_start3A_27 : memref<100000xf32, #tpu.memory_space<hbm>>) target(%arg8 : memref<100000xf32, #tpu.memory_space<vmem>>) target_semaphore(%arg11 : memref<!tpu.dma_semaphore, #tpu.memory_space<semaphore_mem>>)
      %dma_wait3A = arith.constant 1 : i32
      %dma_wait3A_28 = arith.constant 0 : i32
      %dma_wait3A_29 = tpu.memref_slice %arg2[%dma_wait3A, %dma_wait3A_28] : memref<3x16384xi32, #tpu.memory_space<hbm>> -> memref<1x16384xi32, #tpu.memory_space<hbm>>
      %dma_wait3A_30 = arith.constant 1 : i32
      %dma_wait3A_31 = arith.constant 0 : i32
      %dma_wait3A_32 = tpu.memref_slice %arg2[%dma_wait3A_30, %dma_wait3A_31] : memref<3x16384xi32, #tpu.memory_space<hbm>> -> memref<1x16384xi32, #tpu.memory_space<hbm>>
      tpu.wait_dma2 semaphore(%arg10 : memref<!tpu.dma_semaphore, #tpu.memory_space<semaphore_mem>>) src(%dma_wait3A_32 : memref<1x16384xi32, #tpu.memory_space<hbm>>) dst(%arg7 : memref<1x16384xi32, #tpu.memory_space<vmem>>)
      %scan3A = arith.constant 0 : i32
      %scan3A_33 = arith.constant 0 : i32
      %scan3A_34 = arith.constant 4 : i32
      %scan3A_35 = arith.addi %scan3A_33, %scan3A_34 : i32
      %scan3A_36 = arith.constant 1 : i32
      scf.for %scan3A_60 = %scan3A_33 to %scan3A_35 step %scan3A_36  : i32 {
        %add3A_61 = arith.addi %mul3A_16, %scan3A_60 : i32
        %dma_wait3A_62 = arith.constant 0 : i32
        %dma_wait3A_63 = tpu.memref_slice %arg4[%mul3A_16, %dma_wait3A_62] : memref<32x100000xf32, #tpu.memory_space<hbm>> -> memref<1x100000xf32, #tpu.memory_space<hbm>>
        %dma_wait3A_64 = tpu.memref_squeeze %dma_wait3A_63 : memref<1x100000xf32, #tpu.memory_space<hbm>> -> memref<100000xf32, #tpu.memory_space<hbm>>
        %dma_wait3A_65 = arith.constant 0 : i32
        %dma_wait3A_66 = tpu.memref_slice %arg4[%mul3A_16, %dma_wait3A_65] : memref<32x100000xf32, #tpu.memory_space<hbm>> -> memref<1x100000xf32, #tpu.memory_space<hbm>>
        %dma_wait3A_67 = tpu.memref_squeeze %dma_wait3A_66 : memref<1x100000xf32, #tpu.memory_space<hbm>> -> memref<100000xf32, #tpu.memory_space<hbm>>
        tpu.wait_dma2 semaphore(%arg11 : memref<!tpu.dma_semaphore, #tpu.memory_space<semaphore_mem>>) src(%dma_wait3A_67 : memref<100000xf32, #tpu.memory_space<hbm>>) dst(%arg8 : memref<100000xf32, #tpu.memory_space<vmem>>)
        %scan3A_68 = arith.constant 0 : i32
        %scan3A_69 = arith.constant 0 : i32
        %scan3A_70 = arith.constant 4 : i32
        %scan3A_71 = arith.addi %scan3A_69, %scan3A_70 : i32
        %scan3A_72 = arith.constant 1 : i32
        scf.for %scan3A_79 = %scan3A_69 to %scan3A_71 step %scan3A_72  : i32 {
          %jit3A = arith.constant 2 : i32
          %eq3A = arith.constant 0 : i32
          %eq3A_80 = arith.cmpi eq, %jit3A, %eq3A : i32
          %jit3A_81 = arith.constant 1 : i32
          %select_n3A = arith.select %eq3A_80, %jit3A_81, %jit3A : i32
          %rem3A = arith.remsi %scan3A_79, %select_n3A : i32
          %ne3A = arith.constant 0 : i32
          %ne3A_82 = arith.cmpi ne, %rem3A, %ne3A : i32
          %lt3A_83 = arith.constant 0 : i32
          %lt3A_84 = arith.cmpi slt, %rem3A, %lt3A_83 : i32
          %lt3A_85 = arith.constant 0 : i32
          %lt3A_86 = arith.cmpi slt, %select_n3A, %lt3A_85 : i32
          %ne3A_87 = arith.xori %lt3A_84, %lt3A_86 : i1
          %and3A_88 = arith.andi %ne3A_87, %ne3A_82 : i1
          %add3A_89 = arith.addi %rem3A, %select_n3A : i32
          %select_n3A_90 = arith.select %and3A_88, %add3A_89, %rem3A : i32
          %mul3A_91 = arith.constant 4096 : i32
          %mul3A_92 = arith.muli %select_n3A_90, %mul3A_91 : i32
          %gt3A = arith.constant 0 : i32
          %gt3A_93 = arith.cmpi sgt, %scan3A_60, %gt3A : i32
          %ge3A_94 = arith.constant 2 : i32
          %ge3A_95 = arith.cmpi sge, %scan3A_79, %ge3A_94 : i32
          %or3A = arith.ori %gt3A_93, %ge3A_95 : i1
          %convert_element_type3A_96 = arith.extui %or3A : i1 to i32
          %cond3A_97 = arith.constant 0 : i32
          %cond3A_98 = arith.cmpi ne, %convert_element_type3A_96, %cond3A_97 : i32
          scf.if %cond3A_98 {
            %dma_wait3A_115 = arith.constant 32 : i32
            %dma_wait3A_116 = arith.constant 0 : i32
            %dma_wait3A_117 = tpu.memref_slice %arg9[%dma_wait3A_116] : memref<8192xf32, #tpu.memory_space<vmem>> -> memref<4096xf32, #tpu.memory_space<vmem>>
            %dma_wait3A_118 = arith.constant 0 : i32
            %dma_wait3A_119 = tpu.memref_slice %arg6[%dma_wait3A_115, %dma_wait3A_118] : memref<128x16384xf32, #tpu.memory_space<hbm>> -> memref<1x4096xf32, #tpu.memory_space<hbm>>
            %dma_wait3A_120 = tpu.memref_squeeze %dma_wait3A_119 : memref<1x4096xf32, #tpu.memory_space<hbm>> -> memref<4096xf32, #tpu.memory_space<hbm>>
            %dma_wait3A_121 = arith.constant 0 : i32
            %dma_wait3A_122 = tpu.memref_slice %arg6[%dma_wait3A_115, %dma_wait3A_121] : memref<128x16384xf32, #tpu.memory_space<hbm>> -> memref<1x4096xf32, #tpu.memory_space<hbm>>
            %dma_wait3A_123 = tpu.memref_squeeze %dma_wait3A_122 : memref<1x4096xf32, #tpu.memory_space<hbm>> -> memref<4096xf32, #tpu.memory_space<hbm>>
            %dma_wait3A_124 = arith.constant 0 : i32
            %dma_wait3A_125 = tpu.memref_slice %arg9[%dma_wait3A_124] : memref<8192xf32, #tpu.memory_space<vmem>> -> memref<4096xf32, #tpu.memory_space<vmem>>
            tpu.wait_dma2 semaphore(%arg12 : memref<!tpu.dma_semaphore, #tpu.memory_space<semaphore_mem>>) src(%dma_wait3A_125 : memref<4096xf32, #tpu.memory_space<vmem>>) dst(%dma_wait3A_123 : memref<4096xf32, #tpu.memory_space<hbm>>)
          } else {
          }
          %scan3A_99 = arith.constant 0 : i32
          %scan3A_100 = arith.constant 0 : i32
          %scan3A_101 = arith.constant 32 : i32
          %scan3A_102 = arith.addi %scan3A_100, %scan3A_101 : i32
          %scan3A_103 = arith.constant 1 : i32
          scf.for %scan3A_115 = %scan3A_100 to %scan3A_102 step %scan3A_103  : i32 {
            %mul3A_116 = arith.constant 128 : i32
            %mul3A_117 = arith.muli %scan3A_115, %mul3A_116 : i32
            %mul3A_118 = arith.constant 4096 : i32
            %mul3A_119 = arith.muli %scan3A_79, %mul3A_118 : i32
            %add3A_120 = arith.addi %mul3A_119, %mul3A_117 : i32
            %add3A_121 = arith.constant 0 : i32
            %add3A_122 = arith.addi %add3A_120, %add3A_121 : i32
            %get3A = arith.constant 0 : i32
            %get3A_123 = arith.index_cast %get3A : i32 to index
            %get3A_124 = arith.index_cast %add3A_122 : i32 to index
            %get3A_125 = tpu.vector_load %arg7[%get3A_123, %get3A_124] {strides = array<i32>} : memref<1x16384xi32, #tpu.memory_space<vmem>>, vector<16xi32>,
            %mul3A_126 = arith.constant 4096 : i32
            %mul3A_127 = arith.muli %scan3A_79, %mul3A_126 : i32
            %add3A_128 = arith.addi %mul3A_127, %mul3A_117 : i32
            %add3A_129 = arith.constant 16 : i32
            %add3A_130 = arith.addi %add3A_128, %add3A_129 : i32
            %get3A_131 = arith.constant 0 : i32
            %get3A_132 = arith.index_cast %get3A_131 : i32 to index
            %get3A_133 = arith.index_cast %add3A_130 : i32 to index
            %get3A_134 = tpu.vector_load %arg7[%get3A_132, %get3A_133] {strides = array<i32>} : memref<1x16384xi32, #tpu.memory_space<vmem>>, vector<16xi32>,
            %mul3A_135 = arith.constant 4096 : i32
            %mul3A_136 = arith.muli %scan3A_79, %mul3A_135 : i32
            %add3A_137 = arith.addi %mul3A_136, %mul3A_117 : i32
            %add3A_138 = arith.constant 32 : i32
            %add3A_139 = arith.addi %add3A_137, %add3A_138 : i32
            %get3A_140 = arith.constant 0 : i32
            %get3A_141 = arith.index_cast %get3A_140 : i32 to index
            %get3A_142 = arith.index_cast %add3A_139 : i32 to index
            %get3A_143 = tpu.vector_load %arg7[%get3A_141, %get3A_142] {strides = array<i32>} : memref<1x16384xi32, #tpu.memory_space<vmem>>, vector<16xi32>,
            %mul3A_144 = arith.constant 4096 : i32
            %mul3A_145 = arith.muli %scan3A_79, %mul3A_144 : i32
            %add3A_146 = arith.addi %mul3A_145, %mul3A_117 : i32
            %add3A_147 = arith.constant 48 : i32
            %add3A_148 = arith.addi %add3A_146, %add3A_147 : i32
            %get3A_149 = arith.constant 0 : i32
            %get3A_150 = arith.index_cast %get3A_149 : i32 to index
            %get3A_151 = arith.index_cast %add3A_148 : i32 to index
            %get3A_152 = tpu.vector_load %arg7[%get3A_150, %get3A_151] {strides = array<i32>} : memref<1x16384xi32, #tpu.memory_space<vmem>>, vector<16xi32>,
            %mul3A_153 = arith.constant 4096 : i32
            %mul3A_154 = arith.muli %scan3A_79, %mul3A_153 : i32
            %add3A_155 = arith.addi %mul3A_154, %mul3A_117 : i32
            %add3A_156 = arith.constant 64 : i32
            %add3A_157 = arith.addi %add3A_155, %add3A_156 : i32
            %get3A_158 = arith.constant 0 : i32
            %get3A_159 = arith.index_cast %get3A_158 : i32 to index
            %get3A_160 = arith.index_cast %add3A_157 : i32 to index
            %get3A_161 = tpu.vector_load %arg7[%get3A_159, %get3A_160] {strides = array<i32>} : memref<1x16384xi32, #tpu.memory_space<vmem>>, vector<16xi32>,
            %mul3A_162 = arith.constant 4096 : i32
            %mul3A_163 = arith.muli %scan3A_79, %mul3A_162 : i32
            %add3A_164 = arith.addi %mul3A_163, %mul3A_117 : i32
            %add3A_165 = arith.constant 80 : i32
            %add3A_166 = arith.addi %add3A_164, %add3A_165 : i32
            %get3A_167 = arith.constant 0 : i32
            %get3A_168 = arith.index_cast %get3A_167 : i32 to index
            %get3A_169 = arith.index_cast %add3A_166 : i32 to index
            %get3A_170 = tpu.vector_load %arg7[%get3A_168, %get3A_169] {strides = array<i32>} : memref<1x16384xi32, #tpu.memory_space<vmem>>, vector<16xi32>,
            %mul3A_171 = arith.constant 4096 : i32
            %mul3A_172 = arith.muli %scan3A_79, %mul3A_171 : i32
            %add3A_173 = arith.addi %mul3A_172, %mul3A_117 : i32
            %add3A_174 = arith.constant 96 : i32
            %add3A_175 = arith.addi %add3A_173, %add3A_174 : i32
            %get3A_176 = arith.constant 0 : i32
            %get3A_177 = arith.index_cast %get3A_176 : i32 to index
            %get3A_178 = arith.index_cast %add3A_175 : i32 to index
            %get3A_179 = tpu.vector_load %arg7[%get3A_177, %get3A_178] {strides = array<i32>} : memref<1x16384xi32, #tpu.memory_space<vmem>>, vector<16xi32>,
            %mul3A_180 = arith.constant 4096 : i32
            %mul3A_181 = arith.muli %scan3A_79, %mul3A_180 : i32
            %add3A_182 = arith.addi %mul3A_181, %mul3A_117 : i32
            %add3A_183 = arith.constant 112 : i32
            %add3A_184 = arith.addi %add3A_182, %add3A_183 : i32
            %get3A_185 = arith.constant 0 : i32
            %get3A_186 = arith.index_cast %get3A_185 : i32 to index
            %get3A_187 = arith.index_cast %add3A_184 : i32 to index
            %get3A_188 = tpu.vector_load %arg7[%get3A_186, %get3A_187] {strides = array<i32>} : memref<1x16384xi32, #tpu.memory_space<vmem>>, vector<16xi32>,
            %gather3A = tpu.vector_load_idx %arg8[%get3A_125] : memref<100000xf32, #tpu.memory_space<vmem>>[vector<16xi32>], vector<16xf32>,
            %gather3A_189 = tpu.vector_load_idx %arg8[%get3A_134] : memref<100000xf32, #tpu.memory_space<vmem>>[vector<16xi32>], vector<16xf32>,
            %gather3A_190 = tpu.vector_load_idx %arg8[%get3A_143] : memref<100000xf32, #tpu.memory_space<vmem>>[vector<16xi32>], vector<16xf32>,
            %gather3A_191 = tpu.vector_load_idx %arg8[%get3A_152] : memref<100000xf32, #tpu.memory_space<vmem>>[vector<16xi32>], vector<16xf32>,
            %gather3A_192 = tpu.vector_load_idx %arg8[%get3A_161] : memref<100000xf32, #tpu.memory_space<vmem>>[vector<16xi32>], vector<16xf32>,
            %gather3A_193 = tpu.vector_load_idx %arg8[%get3A_170] : memref<100000xf32, #tpu.memory_space<vmem>>[vector<16xi32>], vector<16xf32>,
            %gather3A_194 = tpu.vector_load_idx %arg8[%get3A_179] : memref<100000xf32, #tpu.memory_space<vmem>>[vector<16xi32>], vector<16xf32>,
            %gather3A_195 = tpu.vector_load_idx %arg8[%get3A_188] : memref<100000xf32, #tpu.memory_space<vmem>>[vector<16xi32>], vector<16xf32>,
            %add3A_196 = arith.addi %mul3A_92, %mul3A_117 : i32
            %add3A_197 = arith.constant 0 : i32
            %add3A_198 = arith.addi %add3A_196, %add3A_197 : i32
            %swap3A = arith.index_cast %add3A_198 : i32 to index
            %swap3A_199 = tpu.vector_load %arg9[%swap3A] {strides = array<i32>} : memref<8192xf32, #tpu.memory_space<vmem>>, vector<16xf32>,
            tpu.vector_store %arg9[%swap3A], %gather3A {strides = array<i32>} : memref<8192xf32, #tpu.memory_space<vmem>>, vector<16xf32>,
            %add3A_200 = arith.addi %mul3A_92, %mul3A_117 : i32
            %add3A_201 = arith.constant 16 : i32
            %add3A_202 = arith.addi %add3A_200, %add3A_201 : i32
            %swap3A_203 = arith.index_cast %add3A_202 : i32 to index
            %swap3A_204 = tpu.vector_load %arg9[%swap3A_203] {strides = array<i32>} : memref<8192xf32, #tpu.memory_space<vmem>>, vector<16xf32>,
            tpu.vector_store %arg9[%swap3A_203], %gather3A_189 {strides = array<i32>} : memref<8192xf32, #tpu.memory_space<vmem>>, vector<16xf32>,
            %add3A_205 = arith.addi %mul3A_92, %mul3A_117 : i32
            %add3A_206 = arith.constant 32 : i32
            %add3A_207 = arith.addi %add3A_205, %add3A_206 : i32
            %swap3A_208 = arith.index_cast %add3A_207 : i32 to index
            %swap3A_209 = tpu.vector_load %arg9[%swap3A_208] {strides = array<i32>} : memref<8192xf32, #tpu.memory_space<vmem>>, vector<16xf32>,
            tpu.vector_store %arg9[%swap3A_208], %gather3A_190 {strides = array<i32>} : memref<8192xf32, #tpu.memory_space<vmem>>, vector<16xf32>,
            %add3A_210 = arith.addi %mul3A_92, %mul3A_117 : i32
            %add3A_211 = arith.constant 48 : i32
            %add3A_212 = arith.addi %add3A_210, %add3A_211 : i32
            %swap3A_213 = arith.index_cast %add3A_212 : i32 to index
            %swap3A_214 = tpu.vector_load %arg9[%swap3A_213] {strides = array<i32>} : memref<8192xf32, #tpu.memory_space<vmem>>, vector<16xf32>,
            tpu.vector_store %arg9[%swap3A_213], %gather3A_191 {strides = array<i32>} : memref<8192xf32, #tpu.memory_space<vmem>>, vector<16xf32>,
            %add3A_215 = arith.addi %mul3A_92, %mul3A_117 : i32
            %add3A_216 = arith.constant 64 : i32
            %add3A_217 = arith.addi %add3A_215, %add3A_216 : i32
            %swap3A_218 = arith.index_cast %add3A_217 : i32 to index
            %swap3A_219 = tpu.vector_load %arg9[%swap3A_218] {strides = array<i32>} : memref<8192xf32, #tpu.memory_space<vmem>>, vector<16xf32>,
            tpu.vector_store %arg9[%swap3A_218], %gather3A_192 {strides = array<i32>} : memref<8192xf32, #tpu.memory_space<vmem>>, vector<16xf32>,
            %add3A_220 = arith.addi %mul3A_92, %mul3A_117 : i32
            %add3A_221 = arith.constant 80 : i32
            %add3A_222 = arith.addi %add3A_220, %add3A_221 : i32
            %swap3A_223 = arith.index_cast %add3A_222 : i32 to index
            %swap3A_224 = tpu.vector_load %arg9[%swap3A_223] {strides = array<i32>} : memref<8192xf32, #tpu.memory_space<vmem>>, vector<16xf32>,
            tpu.vector_store %arg9[%swap3A_223], %gather3A_193 {strides = array<i32>} : memref<8192xf32, #tpu.memory_space<vmem>>, vector<16xf32>,
            %add3A_225 = arith.addi %mul3A_92, %mul3A_117 : i32
            %add3A_226 = arith.constant 96 : i32
            %add3A_227 = arith.addi %add3A_225, %add3A_226 : i32
            %swap3A_228 = arith.index_cast %add3A_227 : i32 to index
            %swap3A_229 = tpu.vector_load %arg9[%swap3A_228] {strides = array<i32>} : memref<8192xf32, #tpu.memory_space<vmem>>, vector<16xf32>,
            tpu.vector_store %arg9[%swap3A_228], %gather3A_194 {strides = array<i32>} : memref<8192xf32, #tpu.memory_space<vmem>>, vector<16xf32>,
            %add3A_230 = arith.addi %mul3A_92, %mul3A_117 : i32
            %add3A_231 = arith.constant 112 : i32
            %add3A_232 = arith.addi %add3A_230, %add3A_231 : i32
            %swap3A_233 = arith.index_cast %add3A_232 : i32 to index
            %swap3A_234 = tpu.vector_load %arg9[%swap3A_233] {strides = array<i32>} : memref<8192xf32, #tpu.memory_space<vmem>>, vector<16xf32>,
            tpu.vector_store %arg9[%swap3A_233], %gather3A_195 {strides = array<i32>} : memref<8192xf32, #tpu.memory_space<vmem>>, vector<16xf32>,
          }
          %scan3A_104 = arith.constant 32 : i32
          %add3A_105 = arith.constant 32 : i32
          %add3A_106 = arith.addi %add3A_105, %add3A_61 : i32
          %mul3A_107 = arith.constant 4096 : i32
          %mul3A_108 = arith.muli %scan3A_79, %mul3A_107 : i32
          %dma_start3A_109 = tpu.memref_slice %arg9[%mul3A_92] : memref<8192xf32, #tpu.memory_space<vmem>> -> memref<4096xf32, #tpu.memory_space<vmem>>
          %dma_start3A_110 = tpu.memref_slice %arg6[%add3A_106, %mul3A_108] : memref<128x16384xf32, #tpu.memory_space<hbm>> -> memref<1x4096xf32, #tpu.memory_space<hbm>>
          %dma_start3A_111 = tpu.memref_squeeze %dma_start3A_110 : memref<1x4096xf32, #tpu.memory_space<hbm>> -> memref<4096xf32, #tpu.memory_space<hbm>>
          %dma_start3A_112 = tpu.memref_slice %arg6[%add3A_106, %mul3A_108] : memref<128x16384xf32, #tpu.memory_space<hbm>> -> memref<1x4096xf32, #tpu.memory_space<hbm>>
          %dma_start3A_113 = tpu.memref_squeeze %dma_start3A_112 : memref<1x4096xf32, #tpu.memory_space<hbm>> -> memref<4096xf32, #tpu.memory_space<hbm>>
          %dma_start3A_114 = tpu.memref_slice %arg9[%mul3A_92] : memref<8192xf32, #tpu.memory_space<vmem>> -> memref<4096xf32, #tpu.memory_space<vmem>>
          tpu.enqueue_dma source(%dma_start3A_114 : memref<4096xf32, #tpu.memory_space<vmem>>) target(%dma_start3A_113 : memref<4096xf32, #tpu.memory_space<hbm>>) target_semaphore(%arg12 : memref<!tpu.dma_semaphore, #tpu.memory_space<semaphore_mem>>)
        }
        %scan3A_73 = arith.constant 4 : i32
        %lt3A_74 = arith.constant 3 : i32
        %lt3A_75 = arith.cmpi slt, %scan3A_60, %lt3A_74 : i32
        %convert_element_type3A_76 = arith.extui %lt3A_75 : i1 to i32
        %cond3A_77 = arith.constant 0 : i32
        %cond3A_78 = arith.cmpi ne, %convert_element_type3A_76, %cond3A_77 : i32
        scf.if %cond3A_78 {
          %add3A_79 = arith.constant 1 : i32
          %add3A_80 = arith.addi %add3A_61, %add3A_79 : i32
          %dma_start3A_81 = arith.constant 0 : i32
          %dma_start3A_82 = tpu.memref_slice %arg4[%add3A_80, %dma_start3A_81] : memref<32x100000xf32, #tpu.memory_space<hbm>> -> memref<1x100000xf32, #tpu.memory_space<hbm>>
          %dma_start3A_83 = tpu.memref_squeeze %dma_start3A_82 : memref<1x100000xf32, #tpu.memory_space<hbm>> -> memref<100000xf32, #tpu.memory_space<hbm>>
          %dma_start3A_84 = arith.constant 0 : i32
          %dma_start3A_85 = tpu.memref_slice %arg4[%add3A_80, %dma_start3A_84] : memref<32x100000xf32, #tpu.memory_space<hbm>> -> memref<1x100000xf32, #tpu.memory_space<hbm>>
          %dma_start3A_86 = tpu.memref_squeeze %dma_start3A_85 : memref<1x100000xf32, #tpu.memory_space<hbm>> -> memref<100000xf32, #tpu.memory_space<hbm>>
          tpu.enqueue_dma source(%dma_start3A_86 : memref<100000xf32, #tpu.memory_space<hbm>>) target(%arg8 : memref<100000xf32, #tpu.memory_space<vmem>>) target_semaphore(%arg11 : memref<!tpu.dma_semaphore, #tpu.memory_space<semaphore_mem>>)
        } else {
        }
      }
      %scan3A_37 = arith.constant 4 : i32
      %dma_wait3A_38 = arith.constant 32 : i32
      %dma_wait3A_39 = arith.constant 0 : i32
      %dma_wait3A_40 = tpu.memref_slice %arg9[%dma_wait3A_39] : memref<8192xf32, #tpu.memory_space<vmem>> -> memref<4096xf32, #tpu.memory_space<vmem>>
      %dma_wait3A_41 = arith.constant 0 : i32
      %dma_wait3A_42 = tpu.memref_slice %arg6[%dma_wait3A_38, %dma_wait3A_41] : memref<128x16384xf32, #tpu.memory_space<hbm>> -> memref<1x4096xf32, #tpu.memory_space<hbm>>
      %dma_wait3A_43 = tpu.memref_squeeze %dma_wait3A_42 : memref<1x4096xf32, #tpu.memory_space<hbm>> -> memref<4096xf32, #tpu.memory_space<hbm>>
      %dma_wait3A_44 = arith.constant 0 : i32
      %dma_wait3A_45 = tpu.memref_slice %arg6[%dma_wait3A_38, %dma_wait3A_44] : memref<128x16384xf32, #tpu.memory_space<hbm>> -> memref<1x4096xf32, #tpu.memory_space<hbm>>
      %dma_wait3A_46 = tpu.memref_squeeze %dma_wait3A_45 : memref<1x4096xf32, #tpu.memory_space<hbm>> -> memref<4096xf32, #tpu.memory_space<hbm>>
      %dma_wait3A_47 = arith.constant 0 : i32
      %dma_wait3A_48 = tpu.memref_slice %arg9[%dma_wait3A_47] : memref<8192xf32, #tpu.memory_space<vmem>> -> memref<4096xf32, #tpu.memory_space<vmem>>
      tpu.wait_dma2 semaphore(%arg12 : memref<!tpu.dma_semaphore, #tpu.memory_space<semaphore_mem>>) src(%dma_wait3A_48 : memref<4096xf32, #tpu.memory_space<vmem>>) dst(%dma_wait3A_46 : memref<4096xf32, #tpu.memory_space<hbm>>)
      %dma_wait3A_49 = arith.constant 32 : i32
      %dma_wait3A_50 = arith.constant 0 : i32
      %dma_wait3A_51 = tpu.memref_slice %arg9[%dma_wait3A_50] : memref<8192xf32, #tpu.memory_space<vmem>> -> memref<4096xf32, #tpu.memory_space<vmem>>
      %dma_wait3A_52 = arith.constant 0 : i32
      %dma_wait3A_53 = tpu.memref_slice %arg6[%dma_wait3A_49, %dma_wait3A_52] : memref<128x16384xf32, #tpu.memory_space<hbm>> -> memref<1x4096xf32, #tpu.memory_space<hbm>>
      %dma_wait3A_54 = tpu.memref_squeeze %dma_wait3A_53 : memref<1x4096xf32, #tpu.memory_space<hbm>> -> memref<4096xf32, #tpu.memory_space<hbm>>
      %dma_wait3A_55 = arith.constant 0 : i32
      %dma_wait3A_56 = tpu.memref_slice %arg6[%dma_wait3A_49, %dma_wait3A_55] : memref<128x16384xf32, #tpu.memory_space<hbm>> -> memref<1x4096xf32, #tpu.memory_space<hbm>>
      %dma_wait3A_57 = tpu.memref_squeeze %dma_wait3A_56 : memref<1x4096xf32, #tpu.memory_space<hbm>> -> memref<4096xf32, #tpu.memory_space<hbm>>
      %dma_wait3A_58 = arith.constant 0 : i32
      %dma_wait3A_59 = tpu.memref_slice %arg9[%dma_wait3A_58] : memref<8192xf32, #tpu.memory_space<vmem>> -> memref<4096xf32, #tpu.memory_space<vmem>>
      tpu.wait_dma2 semaphore(%arg12 : memref<!tpu.dma_semaphore, #tpu.memory_space<semaphore_mem>>) src(%dma_wait3A_59 : memref<4096xf32, #tpu.memory_space<vmem>>) dst(%dma_wait3A_57 : memref<4096xf32, #tpu.memory_space<hbm>>)
    } else {
    }
    %ge3A_9 = arith.constant 16 : i32
    %ge3A_10 = arith.cmpi sge, %add3A, %ge3A_9 : i32
    %convert_element_type3A_11 = arith.extui %ge3A_10 : i1 to i32
    %cond3A_12 = arith.constant 0 : i32
    %cond3A_13 = arith.cmpi ne, %convert_element_type3A_11, %cond3A_12 : i32
    scf.if %cond3A_13 {
      %sub3A = arith.constant 16 : i32
      %sub3A_14 = arith.subi %add3A, %sub3A : i32
      %mul3A_15 = arith.constant 4 : i32
      %mul3A_16 = arith.muli %sub3A_14, %mul3A_15 : i32
      %dma_start3A = arith.constant 2 : i32
      %dma_start3A_17 = arith.constant 0 : i32
      %dma_start3A_18 = tpu.memref_slice %arg2[%dma_start3A, %dma_start3A_17] : memref<3x16384xi32, #tpu.memory_space<hbm>> -> memref<1x16384xi32, #tpu.memory_space<hbm>>
      %dma_start3A_19 = arith.constant 2 : i32
      %dma_start3A_20 = arith.constant 0 : i32
      %dma_start3A_21 = tpu.memref_slice %arg2[%dma_start3A_19, %dma_start3A_20] : memref<3x16384xi32, #tpu.memory_space<hbm>> -> memref<1x16384xi32, #tpu.memory_space<hbm>>
      tpu.enqueue_dma source(%dma_start3A_21 : memref<1x16384xi32, #tpu.memory_space<hbm>>) target(%arg7 : memref<1x16384xi32, #tpu.memory_space<vmem>>) target_semaphore(%arg10 : memref<!tpu.dma_semaphore, #tpu.memory_space<semaphore_mem>>)
      %dma_start3A_22 = arith.constant 0 : i32
      %dma_start3A_23 = tpu.memref_slice %arg5[%mul3A_16, %dma_start3A_22] : memref<64x100000xf32, #tpu.memory_space<hbm>> -> memref<1x100000xf32, #tpu.memory_space<hbm>>
      %dma_start3A_24 = tpu.memref_squeeze %dma_start3A_23 : memref<1x100000xf32, #tpu.memory_space<hbm>> -> memref<100000xf32, #tpu.memory_space<hbm>>
      %dma_start3A_25 = arith.constant 0 : i32
      %dma_start3A_26 = tpu.memref_slice %arg5[%mul3A_16, %dma_start3A_25] : memref<64x100000xf32, #tpu.memory_space<hbm>> -> memref<1x100000xf32, #tpu.memory_space<hbm>>
      %dma_start3A_27 = tpu.memref_squeeze %dma_start3A_26 : memref<1x100000xf32, #tpu.memory_space<hbm>> -> memref<100000xf32, #tpu.memory_space<hbm>>
      tpu.enqueue_dma source(%dma_start3A_27 : memref<100000xf32, #tpu.memory_space<hbm>>) target(%arg8 : memref<100000xf32, #tpu.memory_space<vmem>>) target_semaphore(%arg11 : memref<!tpu.dma_semaphore, #tpu.memory_space<semaphore_mem>>)
      %dma_wait3A = arith.constant 2 : i32
      %dma_wait3A_28 = arith.constant 0 : i32
      %dma_wait3A_29 = tpu.memref_slice %arg2[%dma_wait3A, %dma_wait3A_28] : memref<3x16384xi32, #tpu.memory_space<hbm>> -> memref<1x16384xi32, #tpu.memory_space<hbm>>
      %dma_wait3A_30 = arith.constant 2 : i32
      %dma_wait3A_31 = arith.constant 0 : i32
      %dma_wait3A_32 = tpu.memref_slice %arg2[%dma_wait3A_30, %dma_wait3A_31] : memref<3x16384xi32, #tpu.memory_space<hbm>> -> memref<1x16384xi32, #tpu.memory_space<hbm>>
      tpu.wait_dma2 semaphore(%arg10 : memref<!tpu.dma_semaphore, #tpu.memory_space<semaphore_mem>>) src(%dma_wait3A_32 : memref<1x16384xi32, #tpu.memory_space<hbm>>) dst(%arg7 : memref<1x16384xi32, #tpu.memory_space<vmem>>)
      %scan3A = arith.constant 0 : i32
      %scan3A_33 = arith.constant 0 : i32
      %scan3A_34 = arith.constant 4 : i32
      %scan3A_35 = arith.addi %scan3A_33, %scan3A_34 : i32
      %scan3A_36 = arith.constant 1 : i32
      scf.for %scan3A_60 = %scan3A_33 to %scan3A_35 step %scan3A_36  : i32 {
        %add3A_61 = arith.addi %mul3A_16, %scan3A_60 : i32
        %dma_wait3A_62 = arith.constant 0 : i32
        %dma_wait3A_63 = tpu.memref_slice %arg5[%mul3A_16, %dma_wait3A_62] : memref<64x100000xf32, #tpu.memory_space<hbm>> -> memref<1x100000xf32, #tpu.memory_space<hbm>>
        %dma_wait3A_64 = tpu.memref_squeeze %dma_wait3A_63 : memref<1x100000xf32, #tpu.memory_space<hbm>> -> memref<100000xf32, #tpu.memory_space<hbm>>
        %dma_wait3A_65 = arith.constant 0 : i32
        %dma_wait3A_66 = tpu.memref_slice %arg5[%mul3A_16, %dma_wait3A_65] : memref<64x100000xf32, #tpu.memory_space<hbm>> -> memref<1x100000xf32, #tpu.memory_space<hbm>>
        %dma_wait3A_67 = tpu.memref_squeeze %dma_wait3A_66 : memref<1x100000xf32, #tpu.memory_space<hbm>> -> memref<100000xf32, #tpu.memory_space<hbm>>
        tpu.wait_dma2 semaphore(%arg11 : memref<!tpu.dma_semaphore, #tpu.memory_space<semaphore_mem>>) src(%dma_wait3A_67 : memref<100000xf32, #tpu.memory_space<hbm>>) dst(%arg8 : memref<100000xf32, #tpu.memory_space<vmem>>)
        %scan3A_68 = arith.constant 0 : i32
        %scan3A_69 = arith.constant 0 : i32
        %scan3A_70 = arith.constant 4 : i32
        %scan3A_71 = arith.addi %scan3A_69, %scan3A_70 : i32
        %scan3A_72 = arith.constant 1 : i32
        scf.for %scan3A_79 = %scan3A_69 to %scan3A_71 step %scan3A_72  : i32 {
          %jit3A = arith.constant 2 : i32
          %eq3A = arith.constant 0 : i32
          %eq3A_80 = arith.cmpi eq, %jit3A, %eq3A : i32
          %jit3A_81 = arith.constant 1 : i32
          %select_n3A = arith.select %eq3A_80, %jit3A_81, %jit3A : i32
          %rem3A = arith.remsi %scan3A_79, %select_n3A : i32
          %ne3A = arith.constant 0 : i32
          %ne3A_82 = arith.cmpi ne, %rem3A, %ne3A : i32
          %lt3A_83 = arith.constant 0 : i32
          %lt3A_84 = arith.cmpi slt, %rem3A, %lt3A_83 : i32
          %lt3A_85 = arith.constant 0 : i32
          %lt3A_86 = arith.cmpi slt, %select_n3A, %lt3A_85 : i32
          %ne3A_87 = arith.xori %lt3A_84, %lt3A_86 : i1
          %and3A_88 = arith.andi %ne3A_87, %ne3A_82 : i1
          %add3A_89 = arith.addi %rem3A, %select_n3A : i32
          %select_n3A_90 = arith.select %and3A_88, %add3A_89, %rem3A : i32
          %mul3A_91 = arith.constant 4096 : i32
          %mul3A_92 = arith.muli %select_n3A_90, %mul3A_91 : i32
          %gt3A = arith.constant 0 : i32
          %gt3A_93 = arith.cmpi sgt, %scan3A_60, %gt3A : i32
          %ge3A_94 = arith.constant 2 : i32
          %ge3A_95 = arith.cmpi sge, %scan3A_79, %ge3A_94 : i32
          %or3A = arith.ori %gt3A_93, %ge3A_95 : i1
          %convert_element_type3A_96 = arith.extui %or3A : i1 to i32
          %cond3A_97 = arith.constant 0 : i32
          %cond3A_98 = arith.cmpi ne, %convert_element_type3A_96, %cond3A_97 : i32
          scf.if %cond3A_98 {
            %dma_wait3A_115 = arith.constant 64 : i32
            %dma_wait3A_116 = arith.constant 0 : i32
            %dma_wait3A_117 = tpu.memref_slice %arg9[%dma_wait3A_116] : memref<8192xf32, #tpu.memory_space<vmem>> -> memref<4096xf32, #tpu.memory_space<vmem>>
            %dma_wait3A_118 = arith.constant 0 : i32
            %dma_wait3A_119 = tpu.memref_slice %arg6[%dma_wait3A_115, %dma_wait3A_118] : memref<128x16384xf32, #tpu.memory_space<hbm>> -> memref<1x4096xf32, #tpu.memory_space<hbm>>
            %dma_wait3A_120 = tpu.memref_squeeze %dma_wait3A_119 : memref<1x4096xf32, #tpu.memory_space<hbm>> -> memref<4096xf32, #tpu.memory_space<hbm>>
            %dma_wait3A_121 = arith.constant 0 : i32
            %dma_wait3A_122 = tpu.memref_slice %arg6[%dma_wait3A_115, %dma_wait3A_121] : memref<128x16384xf32, #tpu.memory_space<hbm>> -> memref<1x4096xf32, #tpu.memory_space<hbm>>
            %dma_wait3A_123 = tpu.memref_squeeze %dma_wait3A_122 : memref<1x4096xf32, #tpu.memory_space<hbm>> -> memref<4096xf32, #tpu.memory_space<hbm>>
            %dma_wait3A_124 = arith.constant 0 : i32
            %dma_wait3A_125 = tpu.memref_slice %arg9[%dma_wait3A_124] : memref<8192xf32, #tpu.memory_space<vmem>> -> memref<4096xf32, #tpu.memory_space<vmem>>
            tpu.wait_dma2 semaphore(%arg12 : memref<!tpu.dma_semaphore, #tpu.memory_space<semaphore_mem>>) src(%dma_wait3A_125 : memref<4096xf32, #tpu.memory_space<vmem>>) dst(%dma_wait3A_123 : memref<4096xf32, #tpu.memory_space<hbm>>)
          } else {
          }
          %scan3A_99 = arith.constant 0 : i32
          %scan3A_100 = arith.constant 0 : i32
          %scan3A_101 = arith.constant 32 : i32
          %scan3A_102 = arith.addi %scan3A_100, %scan3A_101 : i32
          %scan3A_103 = arith.constant 1 : i32
          scf.for %scan3A_115 = %scan3A_100 to %scan3A_102 step %scan3A_103  : i32 {
            %mul3A_116 = arith.constant 128 : i32
            %mul3A_117 = arith.muli %scan3A_115, %mul3A_116 : i32
            %mul3A_118 = arith.constant 4096 : i32
            %mul3A_119 = arith.muli %scan3A_79, %mul3A_118 : i32
            %add3A_120 = arith.addi %mul3A_119, %mul3A_117 : i32
            %add3A_121 = arith.constant 0 : i32
            %add3A_122 = arith.addi %add3A_120, %add3A_121 : i32
            %get3A = arith.constant 0 : i32
            %get3A_123 = arith.index_cast %get3A : i32 to index
            %get3A_124 = arith.index_cast %add3A_122 : i32 to index
            %get3A_125 = tpu.vector_load %arg7[%get3A_123, %get3A_124] {strides = array<i32>} : memref<1x16384xi32, #tpu.memory_space<vmem>>, vector<16xi32>,
            %mul3A_126 = arith.constant 4096 : i32
            %mul3A_127 = arith.muli %scan3A_79, %mul3A_126 : i32
            %add3A_128 = arith.addi %mul3A_127, %mul3A_117 : i32
            %add3A_129 = arith.constant 16 : i32
            %add3A_130 = arith.addi %add3A_128, %add3A_129 : i32
            %get3A_131 = arith.constant 0 : i32
            %get3A_132 = arith.index_cast %get3A_131 : i32 to index
            %get3A_133 = arith.index_cast %add3A_130 : i32 to index
            %get3A_134 = tpu.vector_load %arg7[%get3A_132, %get3A_133] {strides = array<i32>} : memref<1x16384xi32, #tpu.memory_space<vmem>>, vector<16xi32>,
            %mul3A_135 = arith.constant 4096 : i32
            %mul3A_136 = arith.muli %scan3A_79, %mul3A_135 : i32
            %add3A_137 = arith.addi %mul3A_136, %mul3A_117 : i32
            %add3A_138 = arith.constant 32 : i32
            %add3A_139 = arith.addi %add3A_137, %add3A_138 : i32
            %get3A_140 = arith.constant 0 : i32
            %get3A_141 = arith.index_cast %get3A_140 : i32 to index
            %get3A_142 = arith.index_cast %add3A_139 : i32 to index
            %get3A_143 = tpu.vector_load %arg7[%get3A_141, %get3A_142] {strides = array<i32>} : memref<1x16384xi32, #tpu.memory_space<vmem>>, vector<16xi32>,
            %mul3A_144 = arith.constant 4096 : i32
            %mul3A_145 = arith.muli %scan3A_79, %mul3A_144 : i32
            %add3A_146 = arith.addi %mul3A_145, %mul3A_117 : i32
            %add3A_147 = arith.constant 48 : i32
            %add3A_148 = arith.addi %add3A_146, %add3A_147 : i32
            %get3A_149 = arith.constant 0 : i32
            %get3A_150 = arith.index_cast %get3A_149 : i32 to index
            %get3A_151 = arith.index_cast %add3A_148 : i32 to index
            %get3A_152 = tpu.vector_load %arg7[%get3A_150, %get3A_151] {strides = array<i32>} : memref<1x16384xi32, #tpu.memory_space<vmem>>, vector<16xi32>,
            %mul3A_153 = arith.constant 4096 : i32
            %mul3A_154 = arith.muli %scan3A_79, %mul3A_153 : i32
            %add3A_155 = arith.addi %mul3A_154, %mul3A_117 : i32
            %add3A_156 = arith.constant 64 : i32
            %add3A_157 = arith.addi %add3A_155, %add3A_156 : i32
            %get3A_158 = arith.constant 0 : i32
            %get3A_159 = arith.index_cast %get3A_158 : i32 to index
            %get3A_160 = arith.index_cast %add3A_157 : i32 to index
            %get3A_161 = tpu.vector_load %arg7[%get3A_159, %get3A_160] {strides = array<i32>} : memref<1x16384xi32, #tpu.memory_space<vmem>>, vector<16xi32>,
            %mul3A_162 = arith.constant 4096 : i32
            %mul3A_163 = arith.muli %scan3A_79, %mul3A_162 : i32
            %add3A_164 = arith.addi %mul3A_163, %mul3A_117 : i32
            %add3A_165 = arith.constant 80 : i32
            %add3A_166 = arith.addi %add3A_164, %add3A_165 : i32
            %get3A_167 = arith.constant 0 : i32
            %get3A_168 = arith.index_cast %get3A_167 : i32 to index
            %get3A_169 = arith.index_cast %add3A_166 : i32 to index
            %get3A_170 = tpu.vector_load %arg7[%get3A_168, %get3A_169] {strides = array<i32>} : memref<1x16384xi32, #tpu.memory_space<vmem>>, vector<16xi32>,
            %mul3A_171 = arith.constant 4096 : i32
            %mul3A_172 = arith.muli %scan3A_79, %mul3A_171 : i32
            %add3A_173 = arith.addi %mul3A_172, %mul3A_117 : i32
            %add3A_174 = arith.constant 96 : i32
            %add3A_175 = arith.addi %add3A_173, %add3A_174 : i32
            %get3A_176 = arith.constant 0 : i32
            %get3A_177 = arith.index_cast %get3A_176 : i32 to index
            %get3A_178 = arith.index_cast %add3A_175 : i32 to index
            %get3A_179 = tpu.vector_load %arg7[%get3A_177, %get3A_178] {strides = array<i32>} : memref<1x16384xi32, #tpu.memory_space<vmem>>, vector<16xi32>,
            %mul3A_180 = arith.constant 4096 : i32
            %mul3A_181 = arith.muli %scan3A_79, %mul3A_180 : i32
            %add3A_182 = arith.addi %mul3A_181, %mul3A_117 : i32
            %add3A_183 = arith.constant 112 : i32
            %add3A_184 = arith.addi %add3A_182, %add3A_183 : i32
            %get3A_185 = arith.constant 0 : i32
            %get3A_186 = arith.index_cast %get3A_185 : i32 to index
            %get3A_187 = arith.index_cast %add3A_184 : i32 to index
            %get3A_188 = tpu.vector_load %arg7[%get3A_186, %get3A_187] {strides = array<i32>} : memref<1x16384xi32, #tpu.memory_space<vmem>>, vector<16xi32>,
            %gather3A = tpu.vector_load_idx %arg8[%get3A_125] : memref<100000xf32, #tpu.memory_space<vmem>>[vector<16xi32>], vector<16xf32>,
            %gather3A_189 = tpu.vector_load_idx %arg8[%get3A_134] : memref<100000xf32, #tpu.memory_space<vmem>>[vector<16xi32>], vector<16xf32>,
            %gather3A_190 = tpu.vector_load_idx %arg8[%get3A_143] : memref<100000xf32, #tpu.memory_space<vmem>>[vector<16xi32>], vector<16xf32>,
            %gather3A_191 = tpu.vector_load_idx %arg8[%get3A_152] : memref<100000xf32, #tpu.memory_space<vmem>>[vector<16xi32>], vector<16xf32>,
            %gather3A_192 = tpu.vector_load_idx %arg8[%get3A_161] : memref<100000xf32, #tpu.memory_space<vmem>>[vector<16xi32>], vector<16xf32>,
            %gather3A_193 = tpu.vector_load_idx %arg8[%get3A_170] : memref<100000xf32, #tpu.memory_space<vmem>>[vector<16xi32>], vector<16xf32>,
            %gather3A_194 = tpu.vector_load_idx %arg8[%get3A_179] : memref<100000xf32, #tpu.memory_space<vmem>>[vector<16xi32>], vector<16xf32>,
            %gather3A_195 = tpu.vector_load_idx %arg8[%get3A_188] : memref<100000xf32, #tpu.memory_space<vmem>>[vector<16xi32>], vector<16xf32>,
            %add3A_196 = arith.addi %mul3A_92, %mul3A_117 : i32
            %add3A_197 = arith.constant 0 : i32
            %add3A_198 = arith.addi %add3A_196, %add3A_197 : i32
            %swap3A = arith.index_cast %add3A_198 : i32 to index
            %swap3A_199 = tpu.vector_load %arg9[%swap3A] {strides = array<i32>} : memref<8192xf32, #tpu.memory_space<vmem>>, vector<16xf32>,
            tpu.vector_store %arg9[%swap3A], %gather3A {strides = array<i32>} : memref<8192xf32, #tpu.memory_space<vmem>>, vector<16xf32>,
            %add3A_200 = arith.addi %mul3A_92, %mul3A_117 : i32
            %add3A_201 = arith.constant 16 : i32
            %add3A_202 = arith.addi %add3A_200, %add3A_201 : i32
            %swap3A_203 = arith.index_cast %add3A_202 : i32 to index
            %swap3A_204 = tpu.vector_load %arg9[%swap3A_203] {strides = array<i32>} : memref<8192xf32, #tpu.memory_space<vmem>>, vector<16xf32>,
            tpu.vector_store %arg9[%swap3A_203], %gather3A_189 {strides = array<i32>} : memref<8192xf32, #tpu.memory_space<vmem>>, vector<16xf32>,
            %add3A_205 = arith.addi %mul3A_92, %mul3A_117 : i32
            %add3A_206 = arith.constant 32 : i32
            %add3A_207 = arith.addi %add3A_205, %add3A_206 : i32
            %swap3A_208 = arith.index_cast %add3A_207 : i32 to index
            %swap3A_209 = tpu.vector_load %arg9[%swap3A_208] {strides = array<i32>} : memref<8192xf32, #tpu.memory_space<vmem>>, vector<16xf32>,
            tpu.vector_store %arg9[%swap3A_208], %gather3A_190 {strides = array<i32>} : memref<8192xf32, #tpu.memory_space<vmem>>, vector<16xf32>,
            %add3A_210 = arith.addi %mul3A_92, %mul3A_117 : i32
            %add3A_211 = arith.constant 48 : i32
            %add3A_212 = arith.addi %add3A_210, %add3A_211 : i32
            %swap3A_213 = arith.index_cast %add3A_212 : i32 to index
            %swap3A_214 = tpu.vector_load %arg9[%swap3A_213] {strides = array<i32>} : memref<8192xf32, #tpu.memory_space<vmem>>, vector<16xf32>,
            tpu.vector_store %arg9[%swap3A_213], %gather3A_191 {strides = array<i32>} : memref<8192xf32, #tpu.memory_space<vmem>>, vector<16xf32>,
            %add3A_215 = arith.addi %mul3A_92, %mul3A_117 : i32
            %add3A_216 = arith.constant 64 : i32
            %add3A_217 = arith.addi %add3A_215, %add3A_216 : i32
            %swap3A_218 = arith.index_cast %add3A_217 : i32 to index
            %swap3A_219 = tpu.vector_load %arg9[%swap3A_218] {strides = array<i32>} : memref<8192xf32, #tpu.memory_space<vmem>>, vector<16xf32>,
            tpu.vector_store %arg9[%swap3A_218], %gather3A_192 {strides = array<i32>} : memref<8192xf32, #tpu.memory_space<vmem>>, vector<16xf32>,
            %add3A_220 = arith.addi %mul3A_92, %mul3A_117 : i32
            %add3A_221 = arith.constant 80 : i32
            %add3A_222 = arith.addi %add3A_220, %add3A_221 : i32
            %swap3A_223 = arith.index_cast %add3A_222 : i32 to index
            %swap3A_224 = tpu.vector_load %arg9[%swap3A_223] {strides = array<i32>} : memref<8192xf32, #tpu.memory_space<vmem>>, vector<16xf32>,
            tpu.vector_store %arg9[%swap3A_223], %gather3A_193 {strides = array<i32>} : memref<8192xf32, #tpu.memory_space<vmem>>, vector<16xf32>,
            %add3A_225 = arith.addi %mul3A_92, %mul3A_117 : i32
            %add3A_226 = arith.constant 96 : i32
            %add3A_227 = arith.addi %add3A_225, %add3A_226 : i32
            %swap3A_228 = arith.index_cast %add3A_227 : i32 to index
            %swap3A_229 = tpu.vector_load %arg9[%swap3A_228] {strides = array<i32>} : memref<8192xf32, #tpu.memory_space<vmem>>, vector<16xf32>,
            tpu.vector_store %arg9[%swap3A_228], %gather3A_194 {strides = array<i32>} : memref<8192xf32, #tpu.memory_space<vmem>>, vector<16xf32>,
            %add3A_230 = arith.addi %mul3A_92, %mul3A_117 : i32
            %add3A_231 = arith.constant 112 : i32
            %add3A_232 = arith.addi %add3A_230, %add3A_231 : i32
            %swap3A_233 = arith.index_cast %add3A_232 : i32 to index
            %swap3A_234 = tpu.vector_load %arg9[%swap3A_233] {strides = array<i32>} : memref<8192xf32, #tpu.memory_space<vmem>>, vector<16xf32>,
            tpu.vector_store %arg9[%swap3A_233], %gather3A_195 {strides = array<i32>} : memref<8192xf32, #tpu.memory_space<vmem>>, vector<16xf32>,
          }
          %scan3A_104 = arith.constant 32 : i32
          %add3A_105 = arith.constant 64 : i32
          %add3A_106 = arith.addi %add3A_105, %add3A_61 : i32
          %mul3A_107 = arith.constant 4096 : i32
          %mul3A_108 = arith.muli %scan3A_79, %mul3A_107 : i32
          %dma_start3A_109 = tpu.memref_slice %arg9[%mul3A_92] : memref<8192xf32, #tpu.memory_space<vmem>> -> memref<4096xf32, #tpu.memory_space<vmem>>
          %dma_start3A_110 = tpu.memref_slice %arg6[%add3A_106, %mul3A_108] : memref<128x16384xf32, #tpu.memory_space<hbm>> -> memref<1x4096xf32, #tpu.memory_space<hbm>>
          %dma_start3A_111 = tpu.memref_squeeze %dma_start3A_110 : memref<1x4096xf32, #tpu.memory_space<hbm>> -> memref<4096xf32, #tpu.memory_space<hbm>>
          %dma_start3A_112 = tpu.memref_slice %arg6[%add3A_106, %mul3A_108] : memref<128x16384xf32, #tpu.memory_space<hbm>> -> memref<1x4096xf32, #tpu.memory_space<hbm>>
          %dma_start3A_113 = tpu.memref_squeeze %dma_start3A_112 : memref<1x4096xf32, #tpu.memory_space<hbm>> -> memref<4096xf32, #tpu.memory_space<hbm>>
          %dma_start3A_114 = tpu.memref_slice %arg9[%mul3A_92] : memref<8192xf32, #tpu.memory_space<vmem>> -> memref<4096xf32, #tpu.memory_space<vmem>>
          tpu.enqueue_dma source(%dma_start3A_114 : memref<4096xf32, #tpu.memory_space<vmem>>) target(%dma_start3A_113 : memref<4096xf32, #tpu.memory_space<hbm>>) target_semaphore(%arg12 : memref<!tpu.dma_semaphore, #tpu.memory_space<semaphore_mem>>)
        }
        %scan3A_73 = arith.constant 4 : i32
        %lt3A_74 = arith.constant 3 : i32
        %lt3A_75 = arith.cmpi slt, %scan3A_60, %lt3A_74 : i32
        %convert_element_type3A_76 = arith.extui %lt3A_75 : i1 to i32
        %cond3A_77 = arith.constant 0 : i32
        %cond3A_78 = arith.cmpi ne, %convert_element_type3A_76, %cond3A_77 : i32
        scf.if %cond3A_78 {
          %add3A_79 = arith.constant 1 : i32
          %add3A_80 = arith.addi %add3A_61, %add3A_79 : i32
          %dma_start3A_81 = arith.constant 0 : i32
          %dma_start3A_82 = tpu.memref_slice %arg5[%add3A_80, %dma_start3A_81] : memref<64x100000xf32, #tpu.memory_space<hbm>> -> memref<1x100000xf32, #tpu.memory_space<hbm>>
          %dma_start3A_83 = tpu.memref_squeeze %dma_start3A_82 : memref<1x100000xf32, #tpu.memory_space<hbm>> -> memref<100000xf32, #tpu.memory_space<hbm>>
          %dma_start3A_84 = arith.constant 0 : i32
          %dma_start3A_85 = tpu.memref_slice %arg5[%add3A_80, %dma_start3A_84] : memref<64x100000xf32, #tpu.memory_space<hbm>> -> memref<1x100000xf32, #tpu.memory_space<hbm>>
          %dma_start3A_86 = tpu.memref_squeeze %dma_start3A_85 : memref<1x100000xf32, #tpu.memory_space<hbm>> -> memref<100000xf32, #tpu.memory_space<hbm>>
          tpu.enqueue_dma source(%dma_start3A_86 : memref<100000xf32, #tpu.memory_space<hbm>>) target(%arg8 : memref<100000xf32, #tpu.memory_space<vmem>>) target_semaphore(%arg11 : memref<!tpu.dma_semaphore, #tpu.memory_space<semaphore_mem>>)
        } else {
        }
      }
      %scan3A_37 = arith.constant 4 : i32
      %dma_wait3A_38 = arith.constant 64 : i32
      %dma_wait3A_39 = arith.constant 0 : i32
      %dma_wait3A_40 = tpu.memref_slice %arg9[%dma_wait3A_39] : memref<8192xf32, #tpu.memory_space<vmem>> -> memref<4096xf32, #tpu.memory_space<vmem>>
      %dma_wait3A_41 = arith.constant 0 : i32
      %dma_wait3A_42 = tpu.memref_slice %arg6[%dma_wait3A_38, %dma_wait3A_41] : memref<128x16384xf32, #tpu.memory_space<hbm>> -> memref<1x4096xf32, #tpu.memory_space<hbm>>
      %dma_wait3A_43 = tpu.memref_squeeze %dma_wait3A_42 : memref<1x4096xf32, #tpu.memory_space<hbm>> -> memref<4096xf32, #tpu.memory_space<hbm>>
      %dma_wait3A_44 = arith.constant 0 : i32
      %dma_wait3A_45 = tpu.memref_slice %arg6[%dma_wait3A_38, %dma_wait3A_44] : memref<128x16384xf32, #tpu.memory_space<hbm>> -> memref<1x4096xf32, #tpu.memory_space<hbm>>
      %dma_wait3A_46 = tpu.memref_squeeze %dma_wait3A_45 : memref<1x4096xf32, #tpu.memory_space<hbm>> -> memref<4096xf32, #tpu.memory_space<hbm>>
      %dma_wait3A_47 = arith.constant 0 : i32
      %dma_wait3A_48 = tpu.memref_slice %arg9[%dma_wait3A_47] : memref<8192xf32, #tpu.memory_space<vmem>> -> memref<4096xf32, #tpu.memory_space<vmem>>
      tpu.wait_dma2 semaphore(%arg12 : memref<!tpu.dma_semaphore, #tpu.memory_space<semaphore_mem>>) src(%dma_wait3A_48 : memref<4096xf32, #tpu.memory_space<vmem>>) dst(%dma_wait3A_46 : memref<4096xf32, #tpu.memory_space<hbm>>)
      %dma_wait3A_49 = arith.constant 64 : i32
      %dma_wait3A_50 = arith.constant 0 : i32
      %dma_wait3A_51 = tpu.memref_slice %arg9[%dma_wait3A_50] : memref<8192xf32, #tpu.memory_space<vmem>> -> memref<4096xf32, #tpu.memory_space<vmem>>
      %dma_wait3A_52 = arith.constant 0 : i32
      %dma_wait3A_53 = tpu.memref_slice %arg6[%dma_wait3A_49, %dma_wait3A_52] : memref<128x16384xf32, #tpu.memory_space<hbm>> -> memref<1x4096xf32, #tpu.memory_space<hbm>>
      %dma_wait3A_54 = tpu.memref_squeeze %dma_wait3A_53 : memref<1x4096xf32, #tpu.memory_space<hbm>> -> memref<4096xf32, #tpu.memory_space<hbm>>
      %dma_wait3A_55 = arith.constant 0 : i32
      %dma_wait3A_56 = tpu.memref_slice %arg6[%dma_wait3A_49, %dma_wait3A_55] : memref<128x16384xf32, #tpu.memory_space<hbm>> -> memref<1x4096xf32, #tpu.memory_space<hbm>>
      %dma_wait3A_57 = tpu.memref_squeeze %dma_wait3A_56 : memref<1x4096xf32, #tpu.memory_space<hbm>> -> memref<4096xf32, #tpu.memory_space<hbm>>
      %dma_wait3A_58 = arith.constant 0 : i32
      %dma_wait3A_59 = tpu.memref_slice %arg9[%dma_wait3A_58] : memref<8192xf32, #tpu.memory_space<vmem>> -> memref<4096xf32, #tpu.memory_space<vmem>>
      tpu.wait_dma2 semaphore(%arg12 : memref<!tpu.dma_semaphore, #tpu.memory_space<semaphore_mem>>) src(%dma_wait3A_59 : memref<4096xf32, #tpu.memory_space<vmem>>) dst(%dma_wait3A_57 : memref<4096xf32, #tpu.memory_space<hbm>>)
    } else {
    }
    return
  }
}

module attributes {stable_mosaic.version = 14 : i64} {
  func.func @_mm_body(%arg0: i32, %arg1: memref<128x4096xf32, #tpu.memory_space<vmem>>, %arg2: memref<128x128xf32, #tpu.memory_space<vmem>>, %arg3: memref<1x128xf32, #tpu.memory_space<vmem>>, %arg4: memref<4096x128xf32, #tpu.memory_space<vmem>>) attributes {dimension_semantics = [#tpu.dimension_semantics<arbitrary>], iteration_bounds = array<i64: 4>, scalar_prefetch = 0 : i64, scratch_operands = 0 : i64, tpu.core_type = #tpu.core_type<tc>, window_params = [{transform_indices = @transform_0, window_bounds = array<i64: 128, 4096>}, {pipeline_mode = #tpu.pipeline_mode<synchronous>, transform_indices = @transform_1, window_bounds = array<i64: 128, 128>}, {pipeline_mode = #tpu.pipeline_mode<synchronous>, transform_indices = @transform_2, window_bounds = array<i64: 1, 128>}, {transform_indices = @transform_3, window_bounds = array<i64: 4096, 128>}]} {
    %get3A = arith.constant 0 : index
    %get3A_0 = arith.constant 0 : index
    %get3A_1 = vector.load %arg1[%get3A, %get3A_0] : memref<128x4096xf32, #tpu.memory_space<vmem>>, vector<128x4096xf32>
    %get3A_2 = arith.constant 0 : index
    %get3A_3 = arith.constant 0 : index
    %get3A_4 = vector.load %arg2[%get3A_2, %get3A_3] : memref<128x128xf32, #tpu.memory_space<vmem>>, vector<128x128xf32>
    %dot_general3A = arith.constant dense<0.000000e+00> : vector<4096x128xf32>
    %dot_general3A_5 = tpu.matmul %get3A_1, %get3A_4, %dot_general3A {dimension_numbers = #tpu.dot_dimension_numbers<[0], [0], [1], [1], [0, 1, 1, 1], [], []>, transpose_lhs_hint = false} : vector<128x4096xf32>, vector<128x128xf32>, vector<4096x128xf32> -> vector<4096x128xf32>
    %get3A_6 = arith.constant 0 : index
    %get3A_7 = arith.constant 0 : index
    %get3A_8 = vector.load %arg3[%get3A_6, %get3A_7] : memref<1x128xf32, #tpu.memory_space<vmem>>, vector<1x128xf32>
    %add3A = vector.broadcast %get3A_8 : vector<1x128xf32> to vector<4096x128xf32>
    %add3A_9 = arith.addf %dot_general3A_5, %add3A : vector<4096x128xf32>
    %swap3A = arith.constant 0 : index
    %swap3A_10 = arith.constant 0 : index
    %swap3A_11 = vector.load %arg4[%swap3A, %swap3A_10] : memref<4096x128xf32, #tpu.memory_space<vmem>>, vector<4096x128xf32>
    tpu.vector_store %arg4[%swap3A, %swap3A_10], %add3A_9 {strides = array<i32>} : memref<4096x128xf32, #tpu.memory_space<vmem>>, vector<4096x128xf32>,
    return
  }
  func.func @transform_0(%arg0: i32) -> (i32, i32) {
    %c0_i32 = arith.constant 0 : i32
    %c0_i32_0 = arith.constant 0 : i32
    return %c0_i32, %arg0 : i32, i32
  }
  func.func @transform_1(%arg0: i32) -> (i32, i32) {
    %c0_i32 = arith.constant 0 : i32
    %c0_i32_0 = arith.constant 0 : i32
    %c0_i32_1 = arith.constant 0 : i32
    return %c0_i32, %c0_i32_0 : i32, i32
  }
  func.func @transform_2(%arg0: i32) -> (i32, i32) {
    %c0_i32 = arith.constant 0 : i32
    %c0_i32_0 = arith.constant 0 : i32
    %c0_i32_1 = arith.constant 0 : i32
    return %c0_i32, %c0_i32_0 : i32, i32
  }
  func.func @transform_3(%arg0: i32) -> (i32, i32) {
    %c0_i32 = arith.constant 0 : i32
    %c0_i32_0 = arith.constant 0 : i32
    return %arg0, %c0_i32 : i32, i32
  }
}

</mosaic_0001>

<sc_bundles>
// kernel: kernel.4.cloned.1.call-start
scs
__scs_entry_jumppad:
0x0: {  	(pc) =	sbr.rel $0x88, $3  }
0x1: {  	(tag) =	ssettag $0x0;
	lr =	simm.s32 $0x1  }
0x2: {  	[smem:$0x3F9B] =	sst lr;
	_ =	strace $0xD0000000  }
0x3: {  	_ = 	snop  }
0x4: {  	_ = 	snop  }
0x5: {  	_ = 	snop  }
0x6: {  	_ = 	snop  }
0x7: {  	_ = 	snop  }
__scs_overlays_trampoline_lowered:
0x8: {  	[smem:$0x3FAA] =	sst s0  }
0x9: {  	[smem:$0x3FAB] =	sst s1  }
0xa: {  	[smem:$0x3FAC] =	sst s2  }
0xb: {  	[smem:$0x3FAD] =	sst s3  }
0xc: {  	[smem:$0x3FAE] =	sst s4  }
0xd: {  	[smem:$0x3FAF] =	sst s5  }
0xe: {  	[smem:$0x3FB0] =	sst s6  }
0xf: {  	[smem:$0x3FB1] =	sst s7  }
0x10: {  	[smem:$0x3FB2] =	sst s8  }
0x11: {  	[smem:$0x3FB3] =	sst s9;
	s0 =	simm.s32 @!p0 $0x0  }
0x12: {  	s1 =	sld [smem:$0x3F99];
	s0 =	simm.s32 @p0 $0x1  }
0x13: {  	[smem:$0x3FB4] =	sst s0;
	s0 =	simm.s32 @!p1 $0x0  }
0x14: {  	s2 =	sld [smem:$0x3F98];
	s0 =	simm.s32 @p1 $0x1  }
0x15: {  	[smem:$0x3FB5] =	sst s0;
	s0 =	simm.s32 @!p2 $0x0  }
0x16: {  	s3 =	sld [smem:$0x3FDB];
	s0 =	simm.s32 @p2 $0x1  }
0x17: {  	s4 =	simm.s32 $0x1BF5;
	[smem:$0x3FB7] =	sst s0  }
0x18: {  	s0 =	sld [smem:$0x3F9A];
	_ =	swait.ge [sflag:s4], $0x0  }
0x19: {  	s7 =	sld [smem:$0x3F9B]  }
0x1a: {  	s8 =	sadd.s32 $0xFFFFE003, lr  }
0x1b: {  	s9 =	sadd.s32 $0xFFFFFEF7, lr;
	s5 =	simm.s32 $0xFFFFFFFF;
	p2 =	slt.u32 s8, $0xFFFFF086  }
0x1c: {  	p1 =	slt.u32 s9, $0xF7A;
	s5 =	simm.s32 @!p2 $0x0  }
0x1d: {  	s5 =	simm.s32 @p1 $0x1;
	p0 =	seq.s32 s7, s2  }
0x1e: {  	s7 =	smul.u32 @!p0 $0xF7A, s2;
	p2 =	seq.s32 @!p0 s5, $0x0  }
0x1f: {  	s9 =	smul.u32 $0xF7A, s1;
	s8 =	simm.s32 @!p0 $0x1BF5;
	p2 =	por !p2, p0  }
0x20: {  	[sflag:s8] =	ssyncset.s32 @!p0 $0xFFFFF086;
	s6 =	sadd.s32 @!p0 s3, s7;
	s7 =	simm.s32 @!p0 $0x108  }
0x21: {  	s3 =	sadd.s32 s3, s9;
	s6 =	sadd.s32 @!p0 $0x88, s6;
	s7 =	simm.s32 @p2 $0x1082  }
0x22: {  	[simem:s7], [sflag:s8] =	dma.local @!p0 [hbm:s6], $0xF7A  }
0x23: {  	s9 =	sor.u32 $0xD0000000, s2;
	s6 =	simm.s32 $0x108;
	_ =	swait.ge @!p0 [sflag:s8], $0x0  }
0x24: {  	s3 =	sadd.s32 $0x88, s3;
	s6 =	simm.s32 @!p1 $0x1082;
	[sflag:s4] =	ssyncset.s32 $0xFFFFF086  }
0x25: {  	[simem:s6], [sflag:s4] =	dma.local [hbm:s3], $0xF7A  }
0x26: {  	[smem:$0x3F9B] =	sst s1;
	(tag) =	ssettag s2;
	_ =	strace s9  }
0x27: {  	s1 =	sld [smem:$0x3FAB]  }
0x28: {  	s2 =	sld [smem:$0x3FAC]  }
0x29: {  	s4 =	sld [smem:$0x3FAE]  }
0x2a: {  	p0 =	seq.s32 s5, $0x0;
	s5 =	sld [smem:$0x3FAF]  }
0x2b: {  	s6 =	sld [smem:$0x3FB0]  }
0x2c: {  	s7 =	sld [smem:$0x3FB1]  }
0x2d: {  	s3 =	simm.s32 $0x108;
	s8 =	sld [smem:$0x3FB2]  }
0x2e: {  	s3 =	simm.s32 @!p0 $0x1082;
	s9 =	sld [smem:$0x3FB3]  }
0x2f: {  	lr =	sadd.s32 s0, s3;
	s0 =	sld [smem:$0x3FAA]  }
0x30: {  	s3 =	sld [smem:$0x3FAD]  }
0x31: {  	[smem:$0x3FB6] =	sst s10  }
0x32: {  	s10 =	sld [smem:$0x3FB4];
	_ =	sdelay $0x3  }
0x33: {  	p0 =	seq.s32 s10, $0x1;
	s10 =	sld [smem:$0x3FB6];
	_ =	sdelay $0x3  }
0x34: {  	[smem:$0x3FB6] =	sst s10  }
0x35: {  	s10 =	sld [smem:$0x3FB5];
	_ =	sdelay $0x3  }
0x36: {  	p1 =	seq.s32 s10, $0x1;
	s10 =	sld [smem:$0x3FB6];
	_ =	sdelay $0x3  }
0x37: {  	[smem:$0x3FB6] =	sst s10  }
0x38: {  	s10 =	sld [smem:$0x3FB7]  }
0x39: {  	_ = 	snop;
	(pc) =	sbr.ind lr, $3  }
0x3a: {  	_ = 	snop  }
0x3b: {  	_ = 	snop  }
0x3c: {  	p2 =	seq.s32 s10, $0x1;
	s10 =	sld [smem:$0x3FB6]  }
0x3d: {  	_ =	shalt  }
0x3e: {  	_ =	shalt  }
0x3f: {  	_ =	shalt  }
0x40: {  	_ =	shalt  }
0x41: {  	_ =	shalt  }
0x42: {  	_ =	shalt  }
0x43: {  	_ =	shalt  }
0x44: {  	_ =	shalt  }
0x45: {  	_ =	shalt  }
0x46: {  	_ =	shalt  }
0x47: {  	_ =	shalt  }
0x48: {  	_ =	shalt  }
0x49: {  	_ =	shalt  }
0x4a: {  	_ =	shalt  }
0x4b: {  	_ =	shalt  }
0x4c: {  	_ =	shalt  }
0x4d: {  	_ =	shalt  }
0x4e: {  	_ =	shalt  }
0x4f: {  	_ =	shalt  }
0x50: {  	_ =	shalt  }
0x51: {  	_ =	shalt  }
0x52: {  	_ =	shalt  }
0x53: {  	_ =	shalt  }
0x54: {  	_ =	shalt  }
0x55: {  	_ =	shalt  }
0x56: {  	_ =	shalt  }
0x57: {  	_ =	shalt  }
0x58: {  	_ =	shalt  }
0x59: {  	_ =	shalt  }
0x5a: {  	_ =	shalt  }
0x5b: {  	_ =	shalt  }
0x5c: {  	_ =	shalt  }
0x5d: {  	_ =	shalt  }
0x5e: {  	_ =	shalt  }
0x5f: {  	_ =	shalt  }
0x60: {  	_ =	shalt  }
0x61: {  	_ =	shalt  }
0x62: {  	_ =	shalt  }
0x63: {  	_ =	shalt  }
0x64: {  	_ =	shalt  }
0x65: {  	_ =	shalt  }
0x66: {  	_ =	shalt  }
0x67: {  	_ =	shalt  }
0x68: {  	_ =	shalt  }
0x69: {  	_ =	shalt  }
0x6a: {  	_ =	shalt  }
0x6b: {  	_ =	shalt  }
0x6c: {  	_ =	shalt  }
0x6d: {  	_ =	shalt  }
0x6e: {  	_ =	shalt  }
0x6f: {  	_ =	shalt  }
0x70: {  	_ =	shalt  }
0x71: {  	_ =	shalt  }
0x72: {  	_ =	shalt  }
0x73: {  	_ =	shalt  }
0x74: {  	_ =	shalt  }
0x75: {  	_ =	shalt  }
0x76: {  	_ =	shalt  }
0x77: {  	_ =	shalt  }
0x78: {  	_ =	shalt  }
0x79: {  	_ =	shalt  }
0x7a: {  	_ =	shalt  }
0x7b: {  	_ =	shalt  }
0x7c: {  	_ =	shalt  }
0x7d: {  	_ =	shalt  }
0x7e: {  	_ =	shalt  }
0x7f: {  	_ =	shalt  }
0x80: {  	_ =	shalt  }
0x81: {  	_ =	shalt  }
0x82: {  	_ =	shalt  }
0x83: {  	_ =	shalt  }
0x84: {  	_ =	shalt  }
0x85: {  	_ =	shalt  }
0x86: {  	_ =	shalt  }
0x87: {  	_ =	shalt  }
.Lfunc_end0:
.L_simem_size_0:
called_computation_lowered:
.L_overlay_start_0:
0x88: {  	s2 =	sld [smem:$0x3FD9]  }
0x89: {  	s3 =	sld [smem:$0x3FFE];
	_ =	sdelay $0x1  }
0x8a: {  	s1 =	srdreg.scid  }
0x8b: {  	s0 =	sand.u32 $0x1, s1  }
0x8c: {  	s18 =	sshll.u32 s0, $0xA;
	s2 =	sadd.s32 s3, s2  }
0x8d: {  	s2 =	sadd.s32 s2, s18  }
0x8e: {  	[smem:$0x3FC2] =	sst s2  }
0x8f: {  	_ = 	snop  }
0x90: {  	s2 =	sld [smem:$0x3FC9]  }
0x91: {  	s19 =	sld [smem:$0x3FC8]  }
0x92: {  	s4 =	sld [smem:$0x3FC7]  }
0x93: {  	s5 =	sld [smem:$0x3FC6]  }
0x94: {  	s6 =	sld [smem:$0x3FD0];
	(tm) =	ssettm $0x1  }
0x95: {  	s7 =	sld [smem:$0x3FFB];
	_ =	sdelay $0x3  }
0x96: {  	_ =	strace s7  }
0x97: {  	s7 =	sld [smem:$0x3FFC];
	_ =	sdelay $0x3  }
0x98: {  	_ =	strace s7  }
0x99: {  	s7 =	sld [smem:$0x3FFD];
	_ =	sdelay $0x3  }
0x9a: {  	_ =	strace s7  }
0x9b: {  	_ =	strace $0x8FFFFFFF  }
0x9c: {  	s20 =	sld [smem:$0x3FDB];
	_ =	sdelay $0x1  }
0x9d: {  	s8 =	simm.s32 $_scs_section_size  }
0x9e: {  	s9 =	simm.s32 $_size__tile_overlayer_lowered;
	s10 =	simm.s32 $_tile_overlayer_lowered  }
0x9f: {  	s23 =	simm.s32 $0x1BFF;
	s22 =	sshll.u32 s10, $0x1;
	s7 =	sadd.s32 s8, s20  }
0xa0: {  	s11 =	simm.s32 $0x0;
	s21 =	sshll.u32 s9, $0x1;
	s9 =	sadd.s32 s22, s7  }
0xa1: {  	[timem:s11], [sflag:s23] =	dma.local [hbm:s9], s21  }
0xa2: {  	_ =	swait.ge [sflag:s23], s21  }
0xa3: {  	s8 =	ssub.s32 $0x0, s21;
	[sflag:s23] =	ssyncset.done $0x0  }
0xa4: {  	[sflag:s23] =	ssyncadd.s32 s8;
	_ =	sdelay $0x1  }
0xa5: {  	s24 =	simm.s32 $0x1B8B  }
0xa6: {  	_ =	swait.ge [sflag:s24], $0x1  }
0xa7: {  	[sflag:s24] =	ssyncset.done $0x0  }
0xa8: {  	s25 =	simm.s32 $0x1B8E;
	[sflag:s24] =	ssyncadd.s32 $0xFFFFFFFF  }
0xa9: {  	s26 =	simm.s32 $execute0_lowered;
	[smem:$0x3FD2] =	sst s25  }
0xaa: {  	s8 =	sshll.u32 s26, $0x1;
	_ =	strace $0x80000046;
	[dreg:$0x1] =	wrdreg $0xFFFFFFFF  }
0xab: {  	s28 =	simm.s32 $_size_execute0_lowered;
	s7 =	sadd.s32 s7, s8;
	[dreg:$0x0] =	wrdreg $0x0  }
0xac: {  	s8 =	sshll.u32 s28, $0x1;
	[dreg:$0x2] =	wrdreg s7  }
0xad: {  	[dreg:$0x3] =	wrdreg s8  }
0xae: {  	[dreg:$0x4] =	wrdreg $0xC0  }
0xaf: {  	_ =	task [dreg:s11], $0x5FFFF  }
0xb0: {  	[dreg:$0x1] =	wrdreg $0xFFFFFFFF  }
0xb1: {  	[dreg:$0x0] =	wrdreg $0x60  }
0xb2: {  	[dreg:$0x2] =	wrdreg s2  }
0xb3: {  	[dreg:$0x3] =	wrdreg s19  }
0xb4: {  	[dreg:$0x4] =	wrdreg s4  }
0xb5: {  	[dreg:$0x5] =	wrdreg s5  }
0xb6: {  	[dreg:$0x6] =	wrdreg s6  }
0xb7: {  	[dreg:$0x7] =	wrdreg $0x9  }
0xb8: {  	_ =	task.clear_ibuf [dreg:s11], $0x8FFFF;
	_ =	strace $0x90000046  }
0xb9: {  	s29 =	simm.s32 $0x9;
	_ =	strace $0x80000048  }
0xba: {  	_ =	swait.ge [sflag:s29], $0x1  }
0xbb: {  	[sflag:s29] =	ssyncadd.s32 $0xFFFFFFFF  }
0xbc: {  	_ =	strace $0x90000048  }
0xbd: {  	_ =	sfence  }
0xbe: {  	s30 =	sld [smem:$0x0];
	_ =	sdelay $0x2  }
0xbf: {  	s31 =	sshll.u32 s1, $0xD;
	s1 =	sshrl.u32 s1, $0x2  }
0xc0: {  	s3 =	sand.u32 $0x4000, s31;
	s1 =	sadd.s32 s1, s30  }
0xc1: {  	s0 =	sor.u32 s3, s0;
	s1 =	sshll.u32 s1, $0x11  }
0xc2: {  	s0 =	sor.u32 s1, s0  }
0xc3: {  	s0 =	sadd.s32 $0x8F2B, s0  }
0xc4: {  	[sflag:s0] =	ssyncadd.remote.s32 $0x1  }
0xc5: {  	_ =	sfence.sel $0xFFFF  }
0xc6: {  	[dreg:$0x0] =	wrdreg $0xFFFFFFFF;
	(pc) =	sbr.abs _section_cstart, $3  }
0xc7: {  	[dreg:$0x1] =	wrdreg $0xFFFFFFFF  }
0xc8: {  	_ =	task.clear_ibuf [dreg:s11], $0x2FFFF;
	_ =	strace $0x9FFFFFFF  }
0xc9: {  	(tm) =	ssettm $0x7FFFFFFF  }
tec
execute0_lowered:
.L_overlay_start_1:
0x0: {  	(tag) =	ssettag $0x1  }
0x1: {  	s1 =	rddreg [dreg:$0x0]  }
0x2: {  	s2 =	rddreg [dreg:$0x1]  }
0x3: {  	s3 =	rddreg [dreg:$0x2]  }
0x4: {  	s4 =	rddreg [dreg:$0x3]  }
0x5: {  	s0 =	rddreg [dreg:$0x4];
	s6 =	simm.s32 $0x0  }
0x6: {  	s5 =	srdreg.scid;
	s24 =	stileid.u32;
	s17 =	simm.s32 $0x80  }
0x7: {  	s18 =	simm.s32 $0x200;
	s19 =	simm.s32 $0x400;
	s20 =	simm.s32 $0x4000  }
0x8: {  	s21 =	simm.s32 $0x1;
	s22 =	simm.s32 $0x2;
	s23 =	simm.s32 $0x3  }
0x9: {  	[smem:$0x7FF] =	sst s6;
	s5 =	sand.u32 $0x1, s5;
	s7 =	sshll.u32 s24, $0x3  }
0xa: {  	s26 =	smul.u32 $0xC3800, s24;
	s8 =	ssub.s32 $0x2, s5;
	s9 =	sshll.u32 s5, $0x2  }
0xb: {  	s13 =	sshll.u32 s24, $0xE;
	s10 =	sshrl.u32 s8, $0x1;
	s7 =	sor.u32 s9, s7  }
0xc: {  	s30 =	sand.u32 $0xC, s24;
	s16 =	ssub.s32 s8, s10;
	s8 =	sadd.s32 $0xFFFFFFE0, s7  }
0xd: {  	p0 =	sgt.u32 s24, $0x3;
	s9 =	sadd.s32 $0xFFFFFFC0, s7;
	s11 =	sshrl.u32 s8, $0x3  }
0xe: {  	s5 =	sshll.u32 s5, $0x9;
	s29 =	sshrl.u32 s9, $0x3;
	s12 =	smul.u32 $0xC3800, s11  }
0xf: {  	p2 =	slt.u32 s24, $0x8;
	s28 =	sor.u32 s5, s26;
	s14 =	smul.u32 $0xC3800, s29  }
.Ltmp0:
0x10: {  	_ =	strace $0x80000047;
	s10 =	sshrl.u32 s28, $0x3;
	(pc) =	sbr.rel .LBB2_1-.Ltmp0, $4  }
0x11: {  	p1 =	sne.s32 s30, $0x4;
	s10 =	sadd.s32 s2, s10;
	s16 =	smax.u32 s16, $0x1  }
0x12: {  	s11 =	sadd.s32 s0, s13;
	s31 =	sor.u32 s5, s12;
	s5 =	sor.u32 s5, s14  }
0x13: {  	s12 =	sadd.s32 $0x10, s1;
	s13 =	sshrl.u32 s31, $0x3;
	s5 =	sshrl.u32 s5, $0x3  }
0x14: {  	s14 =	sadd.s32 $0x20, s1;
	s13 =	sadd.s32 s3, s13;
	s15 =	sadd.s32 s4, s5  }
.LBB2_27:
0x15: {  	_ =	swait.ge [sflag:s23], $0x1000  }
0x16: {  	[sflag:s23] =	ssyncset.done $0x0  }
0x17: {  	[sflag:s23] =	ssyncadd.s32 $0xFFFFF000  }
0x18: {  	_ =	swait.ge [sflag:s23], $0x1000  }
0x19: {  	[sflag:s23] =	ssyncset.done $0x0  }
0x1a: {  	[sflag:s23] =	ssyncadd.s32 $0xFFFFF000  }
.LBB2_28:
0x1b: {  	s6 =	sadd.s32 $0x1, s6  }
0x1c: {  	p3 =	sne.s32 s6, s16  }
.Ltmp1:
0x1d: {  	_ = 	snop;
	(pc) =	sbr.rel @!p3 .LBB2_29-.Ltmp1, $1  }
0x1e: {  	_ =	sdelay $0x3  }
.LBB2_1:
.Ltmp2:
0x1f: {  	(pc) =	sbr.rel @p0 .LBB2_10-.Ltmp2, $1  }
0x20: {  	_ =	sdelay $0x3  }
0x21: {  	s24 =	simm.s32 $0x0;
	s0 =	rddreg [dreg:$0x0]  }
0x22: {  	[tilespmem:s24], [sflag:$0x1] =	stream.strided.gather [hbm4b:s0+s17], $0x4000, s18, s17, $0x38;
	[tilespmem:$0x1E700] =	vst v63  }
0x23: {  	_ = 	snop  }
0x24: {  	[tilespmem:s20], [sflag:$0x2] =	stream.strided.gather [hbm4b:s10+s17], $0x18700, s19, s17, $0x38;
	[tilespmem:$0x1E700] =	vst v63  }
0x25: {  	_ =	swait.ge [sflag:s21], $0x4000  }
0x26: {  	[sflag:s21] =	ssyncset.done $0x0  }
0x27: {  	[sflag:s21] =	ssyncadd.s32 $0xFFFFC000  }
.LBB2_3:
0x28: {  	s25 =	sadd.s32 s7, s24;
	_ =	swait.ge [sflag:s22], $0x18700  }
0x29: {  	p3 =	por $0x0, $0x0;
	p4 =	sne.s32 s24, $0x0;
	s0 =	sshll.u32 s25, $0x4  }
0x2a: {  	s28 =	simm.s32 $0x0;
	[sflag:s22] =	ssyncset.done $0x0;
	s0 =	sand.u32 $0x70, s0  }
0x2b: {  	s29 =	simm.s32 $0x0;
	[sflag:s22] =	ssyncadd.s32 $0xFFFE7900;
	s26 =	sadd.s32 s0, s11  }
.LBB2_4:
0x2c: {  	p5 =	slt.u32 @!p4 s29, $0x2;
	v0 =	vmov s28  }
0x2d: {  	p5 =	por p4, !p5  }
0x2e: {  	_ =	swait.ge @p5 [sflag:s23], $0x1000  }
0x2f: {  	[sflag:s23] =	ssyncset.done @p5 $0x0  }
0x30: {  	s30 =	simm.s32 $0x0;
	[sflag:s23] =	ssyncadd.s32 @p5 $0xFFFFF000  }
0x31: {  	v1 =	vld.idx.msk [tilespmem:v0+s30+$0x70 ss:$0x1], $0xffff  }
0x32: {  	v3 =	vld.idx.msk [tilespmem:v0+s30+$0x10 ss:$0x1], $0xffff  }
0x33: {  	v4 =	vld.idx.msk [tilespmem:v0+s30+$0x0 ss:$0x1], $0xffff  }
0x34: {  	v5 =	vld.idx.msk [tilespmem:v0+s30+$0x20 ss:$0x1], $0xffff  }
0x35: {  	v7 =	vld.idx.msk [tilespmem:v0+s30+$0x30 ss:$0x1], $0xffff  }
0x36: {  	v8 =	vld.idx.msk [tilespmem:v0+s30+$0x40 ss:$0x1], $0xffff  }
0x37: {  	s0 =	simm.s32 $0x1;
	v9 =	vld.idx.msk [tilespmem:v0+s30+$0x60 ss:$0x1], $0xffff  }
0x38: {  	s0 =	simm.s32 @!p3 $0x0;
	v10 =	vld.idx.msk [tilespmem:v0+s30+$0x50 ss:$0x1], $0xffff  }
0x39: {  	s0 =	sshll.u32 s0, $0xC;
	v2 =	vld.idx.msk [tilespmem:v1+s20+$0x0], $0xffff  }
0x3a: {  	s0 =	sor.u32 $0x1C740, s0;
	v3 =	vld.idx.msk [tilespmem:v3+s20+$0x0], $0xffff  }
0x3b: {  	v11 =	vld.idx.msk [tilespmem:v4+s20+$0x0], $0xffff;
	v1 =	vmov s0  }
0x3c: {  	v6 =	vld.idx.msk [tilespmem:v5+s20+$0x0], $0xffff  }
0x3d: {  	v7 =	vld.idx.msk [tilespmem:v7+s20+$0x0], $0xffff  }
0x3e: {  	s31 =	sshll.u32 s29, $0xC;
	v5 =	vld.idx.msk [tilespmem:v8+s20+$0x0], $0xffff  }
0x3f: {  	s5 =	sand.u32 $0x1000, s31;
	v4 =	vld.idx.msk [tilespmem:v9+s20+$0x0], $0xffff  }
0x40: {  	v8 =	vld.idx.msk [tilespmem:v10+s20+$0x0], $0xffff;
	s0 =	sadd.s32 $0x1C700, s5;
	s5 =	simm.s32 $0x200;
	[tilespmem:v1+s30+$0xFFFFFFC0 ss:$0x1] =	vst.idx.msk $0xffff, v11  }
.LBB2_5:
0x41: {  	p5 =	sne.s32 s5, $0x3E00;
	[tilespmem:v1+s30+$0xFFFFFFD0 ss:$0x1] =	vst.idx.msk $0xffff, v3;
	s1 =	smov.u32 s5;
	s5 =	sadd.s32 $0x200, s5  }
0x42: {  	[tilespmem:v1+s30+$0xFFFFFFE0 ss:$0x1] =	vst.idx.msk $0xffff, v6  }
0x43: {  	[tilespmem:v1+s30+$0xFFFFFFF0 ss:$0x1] =	vst.idx.msk $0xffff, v7  }
0x44: {  	s1 =	sshra.s32 s1, $0x2;
	[tilespmem:v1+s30+$0x0 ss:$0x1] =	vst.idx.msk $0xffff, v5  }
0x45: {  	[tilespmem:v1+s30+$0x10 ss:$0x1] =	vst.idx.msk $0xffff, v8  }
0x46: {  	[tilespmem:v1+s30+$0x20 ss:$0x1] =	vst.idx.msk $0xffff, v4  }
0x47: {  	[tilespmem:v1+s30+$0x30 ss:$0x1] =	vst.idx.msk $0xffff, v2;
	s30 =	smov.u32 s1  }
0x48: {  	v2 =	vld.idx.msk [tilespmem:v0+s30+$0x70 ss:$0x1], $0xffff  }
0x49: {  	v4 =	vld.idx.msk [tilespmem:v0+s30+$0x20 ss:$0x1], $0xffff  }
0x4a: {  	v3 =	vld.idx.msk [tilespmem:v0+s30+$0x10 ss:$0x1], $0xffff  }
0x4b: {  	v5 =	vld.idx.msk [tilespmem:v0+s30+$0x0 ss:$0x1], $0xffff  }
0x4c: {  	v8 =	vld.idx.msk [tilespmem:v0+s30+$0x40 ss:$0x1], $0xffff  }
0x4d: {  	v7 =	vld.idx.msk [tilespmem:v0+s30+$0x30 ss:$0x1], $0xffff  }
0x4e: {  	v9 =	vld.idx.msk [tilespmem:v0+s30+$0x50 ss:$0x1], $0xffff  }
0x4f: {  	v10 =	vld.idx.msk [tilespmem:v0+s30+$0x60 ss:$0x1], $0xffff;
	_ =	sdelay $0x1  }
0x50: {  	v2 =	vld.idx.msk [tilespmem:v2+s20+$0x0], $0xffff  }
0x51: {  	v3 =	vld.idx.msk [tilespmem:v3+s20+$0x0], $0xffff  }
0x52: {  	v11 =	vld.idx.msk [tilespmem:v5+s20+$0x0], $0xffff  }
0x53: {  	v6 =	vld.idx.msk [tilespmem:v4+s20+$0x0], $0xffff  }
.Ltmp3:
0x54: {  	v7 =	vld.idx.msk [tilespmem:v7+s20+$0x0], $0xffff;
	(pc) =	sbr.rel @p5 .LBB2_5-.Ltmp3, $4  }
0x55: {  	v5 =	vld.idx.msk [tilespmem:v8+s20+$0x0], $0xffff  }
0x56: {  	v4 =	vld.idx.msk [tilespmem:v10+s20+$0x0], $0xffff  }
0x57: {  	v8 =	vld.idx.msk [tilespmem:v9+s20+$0x0], $0xffff  }
0x58: {  	[tilespmem:v1+s30+$0xFFFFFFC0 ss:$0x1] =	vst.idx.msk $0xffff, v11  }
0x59: {  	_ =	sdelay $0x3  }
0x5a: {  	[tilespmem:v1+s30+$0xFFFFFFD0 ss:$0x1] =	vst.idx.msk $0xffff, v3  }
0x5b: {  	s29 =	sadd.s32 $0x1, s29;
	[tilespmem:v1+s30+$0xFFFFFFE0 ss:$0x1] =	vst.idx.msk $0xffff, v6  }
0x5c: {  	p5 =	sne.s32 s29, $0x4;
	[tilespmem:v1+s30+$0xFFFFFFF0 ss:$0x1] =	vst.idx.msk $0xffff, v7  }
.Ltmp4:
0x5d: {  	[tilespmem:v1+s30+$0x0 ss:$0x1] =	vst.idx.msk $0xffff, v5;
	(pc) =	sbr.rel @p5 .LBB2_4-.Ltmp4, $4  }
0x5e: {  	[tilespmem:v1+s30+$0x10 ss:$0x1] =	vst.idx.msk $0xffff, v8  }
0x5f: {  	[tilespmem:v1+s30+$0x20 ss:$0x1] =	vst.idx.msk $0xffff, v4  }
0x60: {  	s1 =	sadd.s32 s31, s26;
	s28 =	sadd.s32 $0x1000, s28;
	p3 =	por !p3, !p3;
	[tilespmem:v1+s30+$0x30 ss:$0x1] =	vst.idx.msk $0xffff, v2  }
0x61: {  	[hbm4b:s1+s17] =	stream.strided.scatter [tilespmem:s0], [sflag:$0x3], $0x1000, s19, s17, $0x38;
	[tilespmem:$0x1E700] =	vst v63  }
0x62: {  	p3 =	seq.s32 s24, $0x3  }
.Ltmp5:
0x63: {  	_ = 	snop;
	(pc) =	sbr.rel @p3 .LBB2_9-.Ltmp5, $1  }
0x64: {  	_ =	sdelay $0x3  }
0x65: {  	s0 =	sadd.s32 $0x1, s25  }
0x66: {  	s1 =	sshrl.u32 s0, $0x3  }
0x67: {  	s0 =	sshll.u32 s0, $0x7;
	s1 =	smul.u32 $0xC3800, s1  }
.Ltmp6:
0x68: {  	s0 =	sand.u32 $0x380, s0;
	(pc) =	sbr.rel .LBB2_3-.Ltmp6, $4  }
0x69: {  	s0 =	sor.u32 s0, s1  }
0x6a: {  	s0 =	sshrl.u32 s0, $0x3  }
0x6b: {  	s24 =	sadd.s32 $0x1, s24;
	s0 =	sadd.s32 s2, s0  }
0x6c: {  	[tilespmem:s20], [sflag:$0x2] =	stream.strided.gather [hbm4b:s0+s17], $0x18700, s19, s17, $0x38;
	[tilespmem:$0x1E700] =	vst v63  }
.LBB2_9:
0x6d: {  	_ =	swait.ge [sflag:s23], $0x1000  }
0x6e: {  	[sflag:s23] =	ssyncset.done $0x0  }
0x6f: {  	[sflag:s23] =	ssyncadd.s32 $0xFFFFF000  }
0x70: {  	_ =	swait.ge [sflag:s23], $0x1000  }
0x71: {  	[sflag:s23] =	ssyncset.done $0x0  }
0x72: {  	[sflag:s23] =	ssyncadd.s32 $0xFFFFF000  }
.LBB2_10:
.Ltmp7:
0x73: {  	(pc) =	sbr.rel @p1 .LBB2_19-.Ltmp7, $1  }
0x74: {  	_ =	sdelay $0x3  }
0x75: {  	s24 =	simm.s32 $0x0  }
0x76: {  	[tilespmem:s24], [sflag:$0x1] =	stream.strided.gather [hbm4b:s12+s17], $0x4000, s18, s17, $0x38;
	[tilespmem:$0x1E700] =	vst v63  }
0x77: {  	_ = 	snop  }
0x78: {  	[tilespmem:s20], [sflag:$0x2] =	stream.strided.gather [hbm4b:s13+s17], $0x18700, s19, s17, $0x38;
	[tilespmem:$0x1E700] =	vst v63  }
0x79: {  	_ =	swait.ge [sflag:s21], $0x4000  }
0x7a: {  	[sflag:s21] =	ssyncset.done $0x0  }
0x7b: {  	[sflag:s21] =	ssyncadd.s32 $0xFFFFC000  }
.LBB2_12:
0x7c: {  	s0 =	sadd.s32 s7, s24;
	_ =	swait.ge [sflag:s22], $0x18700  }
0x7d: {  	p3 =	por $0x0, $0x0;
	p4 =	sne.s32 s24, $0x0;
	s0 =	sshll.u32 s0, $0x4  }
0x7e: {  	s26 =	simm.s32 $0x0;
	[sflag:s22] =	ssyncset.done $0x0;
	s0 =	sand.u32 $0x70, s0  }
0x7f: {  	s28 =	simm.s32 $0x0;
	[sflag:s22] =	ssyncadd.s32 $0xFFFE7900;
	s25 =	sadd.s32 s0, s11  }
.LBB2_13:
0x80: {  	p5 =	slt.u32 @!p4 s28, $0x2;
	v0 =	vmov s26  }
0x81: {  	p5 =	por p4, !p5  }
0x82: {  	_ =	swait.ge @p5 [sflag:s23], $0x1000  }
0x83: {  	[sflag:s23] =	ssyncset.done @p5 $0x0  }
0x84: {  	s29 =	simm.s32 $0x0;
	[sflag:s23] =	ssyncadd.s32 @p5 $0xFFFFF000  }
0x85: {  	v1 =	vld.idx.msk [tilespmem:v0+s29+$0x70 ss:$0x1], $0xffff  }
0x86: {  	v3 =	vld.idx.msk [tilespmem:v0+s29+$0x10 ss:$0x1], $0xffff  }
0x87: {  	v4 =	vld.idx.msk [tilespmem:v0+s29+$0x0 ss:$0x1], $0xffff  }
0x88: {  	v5 =	vld.idx.msk [tilespmem:v0+s29+$0x20 ss:$0x1], $0xffff  }
0x89: {  	v7 =	vld.idx.msk [tilespmem:v0+s29+$0x30 ss:$0x1], $0xffff  }
0x8a: {  	v8 =	vld.idx.msk [tilespmem:v0+s29+$0x40 ss:$0x1], $0xffff  }
0x8b: {  	s0 =	simm.s32 $0x1;
	v9 =	vld.idx.msk [tilespmem:v0+s29+$0x60 ss:$0x1], $0xffff  }
0x8c: {  	s0 =	simm.s32 @!p3 $0x0;
	v10 =	vld.idx.msk [tilespmem:v0+s29+$0x50 ss:$0x1], $0xffff  }
0x8d: {  	s0 =	sshll.u32 s0, $0xC;
	v2 =	vld.idx.msk [tilespmem:v1+s20+$0x0], $0xffff  }
0x8e: {  	s0 =	sor.u32 $0x1C740, s0;
	v3 =	vld.idx.msk [tilespmem:v3+s20+$0x0], $0xffff  }
0x8f: {  	v11 =	vld.idx.msk [tilespmem:v4+s20+$0x0], $0xffff;
	v1 =	vmov s0  }
0x90: {  	v6 =	vld.idx.msk [tilespmem:v5+s20+$0x0], $0xffff  }
0x91: {  	v7 =	vld.idx.msk [tilespmem:v7+s20+$0x0], $0xffff  }
0x92: {  	s30 =	sshll.u32 s28, $0xC;
	v5 =	vld.idx.msk [tilespmem:v8+s20+$0x0], $0xffff  }
0x93: {  	s31 =	sand.u32 $0x1000, s30;
	v4 =	vld.idx.msk [tilespmem:v9+s20+$0x0], $0xffff  }
0x94: {  	s5 =	simm.s32 $0x200;
	v8 =	vld.idx.msk [tilespmem:v10+s20+$0x0], $0xffff;
	s0 =	sadd.s32 $0x1C700, s31;
	[tilespmem:v1+s29+$0xFFFFFFC0 ss:$0x1] =	vst.idx.msk $0xffff, v11  }
.LBB2_14:
0x95: {  	p5 =	sne.s32 s5, $0x3E00;
	[tilespmem:v1+s29+$0xFFFFFFD0 ss:$0x1] =	vst.idx.msk $0xffff, v3;
	s1 =	smov.u32 s5;
	s5 =	sadd.s32 $0x200, s5  }
0x96: {  	[tilespmem:v1+s29+$0xFFFFFFE0 ss:$0x1] =	vst.idx.msk $0xffff, v6  }
0x97: {  	[tilespmem:v1+s29+$0xFFFFFFF0 ss:$0x1] =	vst.idx.msk $0xffff, v7  }
0x98: {  	s1 =	sshra.s32 s1, $0x2;
	[tilespmem:v1+s29+$0x0 ss:$0x1] =	vst.idx.msk $0xffff, v5  }
0x99: {  	[tilespmem:v1+s29+$0x10 ss:$0x1] =	vst.idx.msk $0xffff, v8  }
0x9a: {  	[tilespmem:v1+s29+$0x20 ss:$0x1] =	vst.idx.msk $0xffff, v4  }
0x9b: {  	[tilespmem:v1+s29+$0x30 ss:$0x1] =	vst.idx.msk $0xffff, v2;
	s29 =	smov.u32 s1  }
0x9c: {  	v2 =	vld.idx.msk [tilespmem:v0+s29+$0x70 ss:$0x1], $0xffff  }
0x9d: {  	v4 =	vld.idx.msk [tilespmem:v0+s29+$0x20 ss:$0x1], $0xffff  }
0x9e: {  	v3 =	vld.idx.msk [tilespmem:v0+s29+$0x10 ss:$0x1], $0xffff  }
0x9f: {  	v5 =	vld.idx.msk [tilespmem:v0+s29+$0x0 ss:$0x1], $0xffff  }
0xa0: {  	v8 =	vld.idx.msk [tilespmem:v0+s29+$0x40 ss:$0x1], $0xffff  }
0xa1: {  	v7 =	vld.idx.msk [tilespmem:v0+s29+$0x30 ss:$0x1], $0xffff  }
0xa2: {  	v9 =	vld.idx.msk [tilespmem:v0+s29+$0x50 ss:$0x1], $0xffff  }
0xa3: {  	v10 =	vld.idx.msk [tilespmem:v0+s29+$0x60 ss:$0x1], $0xffff;
	_ =	sdelay $0x1  }
0xa4: {  	v2 =	vld.idx.msk [tilespmem:v2+s20+$0x0], $0xffff  }
0xa5: {  	v3 =	vld.idx.msk [tilespmem:v3+s20+$0x0], $0xffff  }
0xa6: {  	v11 =	vld.idx.msk [tilespmem:v5+s20+$0x0], $0xffff  }
0xa7: {  	v6 =	vld.idx.msk [tilespmem:v4+s20+$0x0], $0xffff  }
.Ltmp8:
0xa8: {  	v7 =	vld.idx.msk [tilespmem:v7+s20+$0x0], $0xffff;
	(pc) =	sbr.rel @p5 .LBB2_14-.Ltmp8, $4  }
0xa9: {  	v5 =	vld.idx.msk [tilespmem:v8+s20+$0x0], $0xffff  }
0xaa: {  	v4 =	vld.idx.msk [tilespmem:v10+s20+$0x0], $0xffff  }
0xab: {  	v8 =	vld.idx.msk [tilespmem:v9+s20+$0x0], $0xffff  }
0xac: {  	[tilespmem:v1+s29+$0xFFFFFFC0 ss:$0x1] =	vst.idx.msk $0xffff, v11  }
0xad: {  	_ =	sdelay $0x3  }
0xae: {  	[tilespmem:v1+s29+$0xFFFFFFD0 ss:$0x1] =	vst.idx.msk $0xffff, v3  }
0xaf: {  	s28 =	sadd.s32 $0x1, s28;
	[tilespmem:v1+s29+$0xFFFFFFE0 ss:$0x1] =	vst.idx.msk $0xffff, v6  }
0xb0: {  	p5 =	sne.s32 s28, $0x4;
	[tilespmem:v1+s29+$0xFFFFFFF0 ss:$0x1] =	vst.idx.msk $0xffff, v7  }
.Ltmp9:
0xb1: {  	[tilespmem:v1+s29+$0x0 ss:$0x1] =	vst.idx.msk $0xffff, v5;
	(pc) =	sbr.rel @p5 .LBB2_13-.Ltmp9, $4  }
0xb2: {  	[tilespmem:v1+s29+$0x10 ss:$0x1] =	vst.idx.msk $0xffff, v8  }
0xb3: {  	[tilespmem:v1+s29+$0x20 ss:$0x1] =	vst.idx.msk $0xffff, v4  }
0xb4: {  	s1 =	sadd.s32 s30, s25;
	s26 =	sadd.s32 $0x1000, s26;
	p3 =	por !p3, !p3;
	[tilespmem:v1+s29+$0x30 ss:$0x1] =	vst.idx.msk $0xffff, v2  }
0xb5: {  	[hbm4b:s1+s17] =	stream.strided.scatter [tilespmem:s0], [sflag:$0x3], $0x1000, s19, s17, $0x38;
	[tilespmem:$0x1E700] =	vst v63  }
0xb6: {  	p3 =	seq.s32 s24, $0x3  }
.Ltmp10:
0xb7: {  	_ = 	snop;
	(pc) =	sbr.rel @p3 .LBB2_18-.Ltmp10, $1  }
0xb8: {  	_ =	sdelay $0x3  }
0xb9: {  	s0 =	sor.u32 s8, s24  }
0xba: {  	s0 =	sadd.s32 $0x1, s0  }
0xbb: {  	s1 =	sshrl.u32 s0, $0x3  }
0xbc: {  	s0 =	sshll.u32 s0, $0x7;
	s1 =	smul.u32 $0xC3800, s1  }
.Ltmp11:
0xbd: {  	s0 =	sand.u32 $0x380, s0;
	(pc) =	sbr.rel .LBB2_12-.Ltmp11, $4  }
0xbe: {  	s0 =	sor.u32 s0, s1  }
0xbf: {  	s0 =	sshrl.u32 s0, $0x3  }
0xc0: {  	s24 =	sadd.s32 $0x1, s24;
	s0 =	sadd.s32 s3, s0  }
0xc1: {  	[tilespmem:s20], [sflag:$0x2] =	stream.strided.gather [hbm4b:s0+s17], $0x18700, s19, s17, $0x38;
	[tilespmem:$0x1E700] =	vst v63  }
.LBB2_18:
0xc2: {  	_ =	swait.ge [sflag:s23], $0x1000  }
0xc3: {  	[sflag:s23] =	ssyncset.done $0x0  }
0xc4: {  	[sflag:s23] =	ssyncadd.s32 $0xFFFFF000  }
0xc5: {  	_ =	swait.ge [sflag:s23], $0x1000  }
0xc6: {  	[sflag:s23] =	ssyncset.done $0x0  }
0xc7: {  	[sflag:s23] =	ssyncadd.s32 $0xFFFFF000  }
.LBB2_19:
.Ltmp12:
0xc8: {  	(pc) =	sbr.rel @p2 .LBB2_28-.Ltmp12, $1  }
0xc9: {  	_ =	sdelay $0x3  }
0xca: {  	s24 =	simm.s32 $0x0  }
0xcb: {  	[tilespmem:s24], [sflag:$0x1] =	stream.strided.gather [hbm4b:s14+s17], $0x4000, s18, s17, $0x38;
	[tilespmem:$0x1E700] =	vst v63  }
0xcc: {  	_ = 	snop  }
0xcd: {  	[tilespmem:s20], [sflag:$0x2] =	stream.strided.gather [hbm4b:s15+s17], $0x18700, s19, s17, $0x38;
	[tilespmem:$0x1E700] =	vst v63  }
0xce: {  	_ =	swait.ge [sflag:s21], $0x4000  }
0xcf: {  	[sflag:s21] =	ssyncset.done $0x0  }
0xd0: {  	[sflag:s21] =	ssyncadd.s32 $0xFFFFC000  }
.LBB2_21:
0xd1: {  	s0 =	sadd.s32 s7, s24;
	_ =	swait.ge [sflag:s22], $0x18700  }
0xd2: {  	p3 =	por $0x0, $0x0;
	p4 =	sne.s32 s24, $0x0;
	s0 =	sshll.u32 s0, $0x4  }
0xd3: {  	s26 =	simm.s32 $0x0;
	[sflag:s22] =	ssyncset.done $0x0;
	s0 =	sand.u32 $0x70, s0  }
0xd4: {  	s28 =	simm.s32 $0x0;
	[sflag:s22] =	ssyncadd.s32 $0xFFFE7900;
	s25 =	sadd.s32 s0, s11  }
.LBB2_22:
0xd5: {  	p5 =	slt.u32 @!p4 s28, $0x2;
	v0 =	vmov s26  }
0xd6: {  	p5 =	por p4, !p5  }
0xd7: {  	_ =	swait.ge @p5 [sflag:s23], $0x1000  }
0xd8: {  	[sflag:s23] =	ssyncset.done @p5 $0x0  }
0xd9: {  	s29 =	simm.s32 $0x0;
	[sflag:s23] =	ssyncadd.s32 @p5 $0xFFFFF000  }
0xda: {  	v1 =	vld.idx.msk [tilespmem:v0+s29+$0x70 ss:$0x1], $0xffff  }
0xdb: {  	v3 =	vld.idx.msk [tilespmem:v0+s29+$0x10 ss:$0x1], $0xffff  }
0xdc: {  	v4 =	vld.idx.msk [tilespmem:v0+s29+$0x0 ss:$0x1], $0xffff  }
0xdd: {  	v5 =	vld.idx.msk [tilespmem:v0+s29+$0x20 ss:$0x1], $0xffff  }
0xde: {  	v7 =	vld.idx.msk [tilespmem:v0+s29+$0x30 ss:$0x1], $0xffff  }
0xdf: {  	v8 =	vld.idx.msk [tilespmem:v0+s29+$0x40 ss:$0x1], $0xffff  }
0xe0: {  	s0 =	simm.s32 $0x1;
	v9 =	vld.idx.msk [tilespmem:v0+s29+$0x60 ss:$0x1], $0xffff  }
0xe1: {  	s0 =	simm.s32 @!p3 $0x0;
	v10 =	vld.idx.msk [tilespmem:v0+s29+$0x50 ss:$0x1], $0xffff  }
0xe2: {  	s0 =	sshll.u32 s0, $0xC;
	v2 =	vld.idx.msk [tilespmem:v1+s20+$0x0], $0xffff  }
0xe3: {  	s0 =	sor.u32 $0x1C740, s0;
	v3 =	vld.idx.msk [tilespmem:v3+s20+$0x0], $0xffff  }
0xe4: {  	v11 =	vld.idx.msk [tilespmem:v4+s20+$0x0], $0xffff;
	v1 =	vmov s0  }
0xe5: {  	v6 =	vld.idx.msk [tilespmem:v5+s20+$0x0], $0xffff  }
0xe6: {  	v7 =	vld.idx.msk [tilespmem:v7+s20+$0x0], $0xffff  }
0xe7: {  	s30 =	sshll.u32 s28, $0xC;
	v5 =	vld.idx.msk [tilespmem:v8+s20+$0x0], $0xffff  }
0xe8: {  	s31 =	sand.u32 $0x1000, s30;
	v4 =	vld.idx.msk [tilespmem:v9+s20+$0x0], $0xffff  }
0xe9: {  	s5 =	simm.s32 $0x200;
	v8 =	vld.idx.msk [tilespmem:v10+s20+$0x0], $0xffff;
	s0 =	sadd.s32 $0x1C700, s31;
	[tilespmem:v1+s29+$0xFFFFFFC0 ss:$0x1] =	vst.idx.msk $0xffff, v11  }
.LBB2_23:
0xea: {  	p5 =	sne.s32 s5, $0x3E00;
	[tilespmem:v1+s29+$0xFFFFFFD0 ss:$0x1] =	vst.idx.msk $0xffff, v3;
	s1 =	smov.u32 s5;
	s5 =	sadd.s32 $0x200, s5  }
0xeb: {  	[tilespmem:v1+s29+$0xFFFFFFE0 ss:$0x1] =	vst.idx.msk $0xffff, v6  }
0xec: {  	[tilespmem:v1+s29+$0xFFFFFFF0 ss:$0x1] =	vst.idx.msk $0xffff, v7  }
0xed: {  	s1 =	sshra.s32 s1, $0x2;
	[tilespmem:v1+s29+$0x0 ss:$0x1] =	vst.idx.msk $0xffff, v5  }
0xee: {  	[tilespmem:v1+s29+$0x10 ss:$0x1] =	vst.idx.msk $0xffff, v8  }
0xef: {  	[tilespmem:v1+s29+$0x20 ss:$0x1] =	vst.idx.msk $0xffff, v4  }
0xf0: {  	[tilespmem:v1+s29+$0x30 ss:$0x1] =	vst.idx.msk $0xffff, v2;
	s29 =	smov.u32 s1  }
0xf1: {  	v2 =	vld.idx.msk [tilespmem:v0+s29+$0x70 ss:$0x1], $0xffff  }
0xf2: {  	v4 =	vld.idx.msk [tilespmem:v0+s29+$0x20 ss:$0x1], $0xffff  }
0xf3: {  	v3 =	vld.idx.msk [tilespmem:v0+s29+$0x10 ss:$0x1], $0xffff  }
0xf4: {  	v5 =	vld.idx.msk [tilespmem:v0+s29+$0x0 ss:$0x1], $0xffff  }
0xf5: {  	v8 =	vld.idx.msk [tilespmem:v0+s29+$0x40 ss:$0x1], $0xffff  }
0xf6: {  	v7 =	vld.idx.msk [tilespmem:v0+s29+$0x30 ss:$0x1], $0xffff  }
0xf7: {  	v9 =	vld.idx.msk [tilespmem:v0+s29+$0x50 ss:$0x1], $0xffff  }
0xf8: {  	v10 =	vld.idx.msk [tilespmem:v0+s29+$0x60 ss:$0x1], $0xffff;
	_ =	sdelay $0x1  }
0xf9: {  	v2 =	vld.idx.msk [tilespmem:v2+s20+$0x0], $0xffff  }
0xfa: {  	v3 =	vld.idx.msk [tilespmem:v3+s20+$0x0], $0xffff  }
0xfb: {  	v11 =	vld.idx.msk [tilespmem:v5+s20+$0x0], $0xffff  }
0xfc: {  	v6 =	vld.idx.msk [tilespmem:v4+s20+$0x0], $0xffff  }
.Ltmp13:
0xfd: {  	v7 =	vld.idx.msk [tilespmem:v7+s20+$0x0], $0xffff;
	(pc) =	sbr.rel @p5 .LBB2_23-.Ltmp13, $4  }
0xfe: {  	v5 =	vld.idx.msk [tilespmem:v8+s20+$0x0], $0xffff  }
0xff: {  	v4 =	vld.idx.msk [tilespmem:v10+s20+$0x0], $0xffff  }
0x100: {  	v8 =	vld.idx.msk [tilespmem:v9+s20+$0x0], $0xffff  }
0x101: {  	[tilespmem:v1+s29+$0xFFFFFFC0 ss:$0x1] =	vst.idx.msk $0xffff, v11  }
0x102: {  	_ =	sdelay $0x3  }
0x103: {  	[tilespmem:v1+s29+$0xFFFFFFD0 ss:$0x1] =	vst.idx.msk $0xffff, v3  }
0x104: {  	s28 =	sadd.s32 $0x1, s28;
	[tilespmem:v1+s29+$0xFFFFFFE0 ss:$0x1] =	vst.idx.msk $0xffff, v6  }
0x105: {  	p5 =	sne.s32 s28, $0x4;
	[tilespmem:v1+s29+$0xFFFFFFF0 ss:$0x1] =	vst.idx.msk $0xffff, v7  }
.Ltmp14:
0x106: {  	[tilespmem:v1+s29+$0x0 ss:$0x1] =	vst.idx.msk $0xffff, v5;
	(pc) =	sbr.rel @p5 .LBB2_22-.Ltmp14, $4  }
0x107: {  	[tilespmem:v1+s29+$0x10 ss:$0x1] =	vst.idx.msk $0xffff, v8  }
0x108: {  	[tilespmem:v1+s29+$0x20 ss:$0x1] =	vst.idx.msk $0xffff, v4  }
0x109: {  	s1 =	sadd.s32 s30, s25;
	s26 =	sadd.s32 $0x1000, s26;
	p3 =	por !p3, !p3;
	[tilespmem:v1+s29+$0x30 ss:$0x1] =	vst.idx.msk $0xffff, v2  }
0x10a: {  	[hbm4b:s1+s17] =	stream.strided.scatter [tilespmem:s0], [sflag:$0x3], $0x1000, s19, s17, $0x38;
	[tilespmem:$0x1E700] =	vst v63  }
0x10b: {  	p3 =	seq.s32 s24, $0x3  }
.Ltmp15:
0x10c: {  	_ = 	snop;
	(pc) =	sbr.rel @p3 .LBB2_27-.Ltmp15, $1  }
0x10d: {  	_ =	sdelay $0x3  }
0x10e: {  	s0 =	sor.u32 s9, s24  }
0x10f: {  	s0 =	sadd.s32 $0x1, s0  }
0x110: {  	s1 =	sshrl.u32 s0, $0x3  }
0x111: {  	s0 =	sshll.u32 s0, $0x7;
	s1 =	smul.u32 $0xC3800, s1  }
.Ltmp16:
0x112: {  	s0 =	sand.u32 $0x380, s0;
	(pc) =	sbr.rel .LBB2_21-.Ltmp16, $4  }
0x113: {  	s0 =	sor.u32 s0, s1  }
0x114: {  	s0 =	sshrl.u32 s0, $0x3  }
0x115: {  	s24 =	sadd.s32 $0x1, s24;
	s0 =	sadd.s32 s4, s0  }
0x116: {  	[tilespmem:s20], [sflag:$0x2] =	stream.strided.gather [hbm4b:s0+s17], $0x18700, s19, s17, $0x38;
	[tilespmem:$0x1E700] =	vst v63  }
.LBB2_29:
0x117: {  	_ =	sfence.sel $0x180000  }
0x118: {  	[bflag:$0x0] =	sbarrier.arrive $0xFFFF  }
0x119: {  	_ =	strace $0x90000047  }
0x11a: {  	s0 =	stileid.u32;
	[bflag:$0x2] =	sbarrier.arrive $0xFFFF  }
0x11b: {  	p0 =	sne.s32 s0, $0x0;
	s0 =	rddreg [dreg:$0x5]  }
0x11c: {  	s0 =	sadd.s32 @!p0 $0x100000, s0  }
0x11d: {  	[sflag:s0] =	ssyncadd.tile.s32 @!p0 $0x1;
	_ =	shalt  }
.Lfunc_end2:
_tile_overlayer_lowered:
.L_overlay_start_2:
0x11e: {  	(tag) =	ssettag $0x2  }
0x11f: {  	s0 =	rddreg [dreg:$0x0];
	s2 =	stileid.u32  }
0x120: {  	s1 =	rddreg [dreg:$0x1];
	p0 =	sne.s32 s2, $0x0  }
0x121: {  	s3 =	rddreg [dreg:$0x2];
	[bflag:$0x3] =	sbarrier.arrive $0xFFFF;
	s2 =	simm.s32 @!p0 $0x1C04  }
0x122: {  	[timem:s3], [sflag:s2] =	dma.local @!p0 [hbm:s0], s1  }
0x123: {  	s0 =	simm.s32 @!p0 $0x4  }
0x124: {  	_ =	swait.ge @!p0 [sflag:s0], s1  }
0x125: {  	s1 =	ssub.s32 @!p0 $0x0, s1;
	[sflag:s0] =	ssyncset.done @!p0 $0x0  }
0x126: {  	[sflag:s0] =	ssyncadd.s32 @!p0 s1  }
0x127: {  	[bflag:$0x3] =	sbarrier.arrive $0xFFFF  }
0x128: {  	_ =	shalt  }

</sc_bundles>
